<compile_context>
chip_gen: v7x
topology: tpu7x:2x2x1
jax: 0.10.2.dev20260603
libtpu: 0.0.44.dev20260713+nightly
codegen_flags: <defaults>
</compile_context>

<pallas_src>
import functools

import jax
import jax.numpy as jnp
from jax import lax
from jax.experimental import pallas as pl
from jax.experimental.pallas import tpu as pltpu
from jax.experimental.pallas import tpu_sc as plsc

N_NODES = 50000
N_PAD = 50048
B_STATIC = 4
E_STATIC = 1600000
VARPHI = 0.7
NUM_CORES = 2
NUM_SUBCORES = 16
NW = NUM_CORES * NUM_SUBCORES
GROUPS_PER_BATCH = 8
EDGES_PER_TILE = E_STATIC // GROUPS_PER_BATCH
CH = 4000
NCHUNK = EDGES_PER_TILE // CH
WCH = 4224
K_MEDIAN = (N_NODES - 1) // 2


def _sc_degree_partials(eidx_lin, weights):
    mesh = plsc.VectorSubcoreMesh(core_axis_name="c", subcore_axis_name="s")

    @functools.partial(
        pl.kernel,
        mesh=mesh,
        out_type=jax.ShapeDtypeStruct((NW * N_PAD,), jnp.float32),
        scratch_types=[
            pltpu.VMEM((N_PAD,), jnp.float32),
            pltpu.VMEM((CH,), jnp.int32),
            pltpu.VMEM((CH,), jnp.int32),
            pltpu.VMEM((CH,), jnp.int32),
            pltpu.VMEM((CH,), jnp.int32),
            pltpu.VMEM((B_STATIC, WCH), jnp.float32),
            pltpu.VMEM((B_STATIC, WCH), jnp.float32),
            pltpu.SemaphoreType.DMA,
            pltpu.SemaphoreType.DMA,
            pltpu.SemaphoreType.DMA,
            pltpu.SemaphoreType.DMA,
            pltpu.SemaphoreType.DMA,
            pltpu.SemaphoreType.DMA,
        ],
        compiler_params=pltpu.CompilerParams(needs_layout_passes=False),
    )
    def sc_kernel(eidx_hbm, w_hbm, out_hbm, deg, sb0, sb1, db0, db1,
                  wb0, wb1, ss0, ss1, sd0, sd1, sw0, sw1):
        wid = lax.axis_index("s") * NUM_CORES + lax.axis_index("c")
        b = lax.shift_right_logical(wid, 3)
        g = lax.bitwise_and(wid, 7)
        e_base = g * EDGES_PER_TILE
        src_base = b * (2 * E_STATIC) + e_base
        dst_base = src_base + E_STATIC
        sbufs = (sb0, sb1)
        dbufs = (db0, db1)
        wbufs = (wb0, wb1)
        ssems = (ss0, ss1)
        dsems = (sd0, sd1)
        wsems = (sw0, sw1)
        zeros16 = jnp.zeros((16,), jnp.float32)

        def zero_body(i, carry):
            deg[pl.ds(i * 16, 16)] = zeros16
            return carry
        lax.fori_loop(0, N_PAD // 16, zero_body, 0)

        def fire(c, i):
            off = c * CH
            e0 = e_base + off
            wa = pl.multiple_of(lax.bitwise_and(e0, ~127), 128)
            pltpu.async_copy(eidx_hbm.at[pl.ds(src_base + off, CH)],
                             sbufs[i], ssems[i])
            pltpu.async_copy(eidx_hbm.at[pl.ds(dst_base + off, CH)],
                             dbufs[i], dsems[i])
            pltpu.async_copy(w_hbm.at[:, pl.ds(wa, WCH)],
                             wbufs[i], wsems[i])

        def wait(i):
            pltpu.make_async_copy(eidx_hbm.at[pl.ds(0, CH)],
                                  sbufs[i], ssems[i]).wait()
            pltpu.make_async_copy(eidx_hbm.at[pl.ds(0, CH)],
                                  dbufs[i], dsems[i]).wait()
            pltpu.make_async_copy(w_hbm.at[:, pl.ds(0, WCH)],
                                  wbufs[i], wsems[i]).wait()

        def process(c, i):
            sb = sbufs[i]
            db = dbufs[i]
            wb = wbufs[i]
            woff = lax.bitwise_and(e_base + c * CH, 127)

            def load_block(blk):
                vecs = []
                for u in range(5):
                    ou = blk * 80 + u * 16
                    vecs.append(sb[pl.ds(ou, 16)])
                    vecs.append(db[pl.ds(ou, 16)])
                    vecs.append(wb[b, pl.ds(woff + ou, 16)])
                return tuple(vecs)

            def scat_block(vecs):
                for u in range(5):
                    plsc.addupdate_scatter(deg, [vecs[3 * u]], vecs[3 * u + 2])
                    plsc.addupdate_scatter(deg, [vecs[3 * u + 1]],
                                           vecs[3 * u + 2])

            def grp_body(blk, vecs):
                scat_block(vecs)
                return load_block(blk + 1)
            last = lax.fori_loop(0, CH // 80 - 1, grp_body, load_block(0))
            scat_block(last)

        fire(0, 0)

        def pipe_body(t, carry):
            c0 = 2 * t
            c1 = 2 * t + 1
            fire(c1, 1)
            wait(0)
            process(c0, 0)

            @pl.when(c0 + 2 < NCHUNK)
            def _():
                fire(c0 + 2, 0)

            wait(1)
            process(c1, 1)
            return carry
        lax.fori_loop(0, NCHUNK // 2, pipe_body, 0)
        if NCHUNK % 2 == 1:
            wait(0)
            process(NCHUNK - 1, 0)

        pltpu.sync_copy(deg, out_hbm.at[pl.ds(wid * N_PAD, N_PAD)])

    return sc_kernel(eidx_lin, weights)


def _tc_threshold(partials):

    def body(p_ref, o_ref):
        deg = p_ref[:, 0, :]
        for w in range(1, GROUPS_PER_BATCH):
            deg = deg + p_ref[:, w, :]
        rmax = jnp.max(deg, axis=1, keepdims=True)
        xu = lax.bitcast_convert_type(deg, jnp.uint32)
        col = lax.broadcasted_iota(jnp.int32, (B_STATIC, N_PAD), 1)
        valid = col < N_NODES

        def radix_body(i, p):
            bit = (31 - i).astype(jnp.uint32)
            t = p | (jnp.uint32(1) << bit)
            hit = jnp.logical_and(xu < t, valid)
            cnt = jnp.sum(hit.astype(jnp.int32), axis=1, keepdims=True)
            return jnp.where(cnt <= K_MEDIAN, t, p)

        p = lax.fori_loop(0, 32, radix_body,
                          jnp.zeros((B_STATIC, 1), jnp.uint32))
        kth = lax.bitcast_convert_type(p, jnp.float32)
        denom = rmax + 1e-8
        norm = deg / denom
        thr = kth / denom
        phi = jnp.where(norm >= thr, jnp.float32(1.0), jnp.float32(VARPHI))
        o_ref[...] = phi[:, :N_NODES]

    return pl.pallas_call(
        body,
        out_shape=jax.ShapeDtypeStruct((B_STATIC, N_NODES), jnp.float32),
    )(partials)


def kernel(edge_index, edge_weights, num_nodes):
    eidx_lin = edge_index.transpose(0, 2, 1).reshape(-1)
    partials = _sc_degree_partials(eidx_lin, edge_weights)
    partials = partials.reshape(B_STATIC, GROUPS_PER_BATCH, N_PAD)
    return _tc_threshold(partials)

# --- scband reference (transcript-rebuilt; emitter-appended) ---
"""Pipeline reference for scband-hidden-state-weaken-45990509806146 (READ-ONLY COPY).

The authoritative reference and input builder live on the scoring server;
editing this copy changes nothing except your own understanding.
"""

import jax, jax.numpy as jnp
import numpy as np

VARPHI = 0.7

def setup_inputs(seed: int = 0) -> dict:
    key = jax.random.key(seed)
    k1, k2 = jax.random.split(key)
    B, E, N = 4, 1600000, 50000
    edge_index = jax.random.randint(k1, (B, E, 2), 0, N, dtype=jnp.int32)
    edge_weights = jax.random.uniform(k2, (B, E), dtype=jnp.float32)
    return {"edge_index": edge_index, "edge_weights": edge_weights, "num_nodes": N}


def reference(edge_index, edge_weights, num_nodes):
    B, E, _ = edge_index.shape
    N_static = 50000
    src = edge_index[:, :, 0]
    dst = edge_index[:, :, 1]
    batch_off = (jnp.arange(B, dtype=edge_index.dtype) *
                 jnp.asarray(num_nodes, dtype=edge_index.dtype))[:, None]
    flat_src = (src + batch_off).reshape(-1)
    flat_dst = (dst + batch_off).reshape(-1)
    w = edge_weights.reshape(-1)
    degrees = jnp.zeros(B * N_static, dtype=edge_weights.dtype)
    degrees = degrees.at[flat_src].add(w)
    degrees = degrees.at[flat_dst].add(w)
    degrees = degrees.reshape(B, N_static)
    degrees_normalized = degrees / (jnp.max(degrees, axis=1, keepdims=True) + 1e-08)
    # torch.median returns the lower of the two middle values for even N: sorted[(N-1)//2]
    sorted_deg = jnp.sort(degrees_normalized, axis=1)
    threshold = sorted_deg[:, (N_static - 1) // 2:(N_static - 1) // 2 + 1]
    masks = (degrees_normalized >= threshold).astype(edge_weights.dtype)
    phi = masks + (1.0 - masks) * VARPHI
    return phi

if __name__ == "__main__":
    import jax
    _d = setup_inputs()
    print(jax.jit(kernel)(*tuple(_d.values())))

</pallas_src>

<mosaic_0001>
#map = affine_map<(d0, d1) -> (0)>
#map1 = affine_map<(d0, d1) -> (0, 0)>
module attributes {stable_mosaic.version = 14 : i64} {
  func.func @sc_kernel(%arg0: i32, %arg1: i32, %arg2: memref<12800000xi32, #tpu.memory_space<hbm>>, %arg3: memref<4x1600000xf32, #tpu.memory_space<hbm>>, %arg4: memref<1601536xf32, #tpu.memory_space<hbm>>, %arg5: memref<50048xf32, #tpu.memory_space<vmem>>, %arg6: memref<4000xi32, #tpu.memory_space<vmem>>, %arg7: memref<4000xi32, #tpu.memory_space<vmem>>, %arg8: memref<4000xi32, #tpu.memory_space<vmem>>, %arg9: memref<4000xi32, #tpu.memory_space<vmem>>, %arg10: memref<4x4224xf32, #tpu.memory_space<vmem>>, %arg11: memref<4x4224xf32, #tpu.memory_space<vmem>>, %arg12: memref<!tpu.dma_semaphore, #tpu.memory_space<semaphore_mem>>, %arg13: memref<!tpu.dma_semaphore, #tpu.memory_space<semaphore_mem>>, %arg14: memref<!tpu.dma_semaphore, #tpu.memory_space<semaphore_mem>>, %arg15: memref<!tpu.dma_semaphore, #tpu.memory_space<semaphore_mem>>, %arg16: memref<!tpu.dma_semaphore, #tpu.memory_space<semaphore_mem>>, %arg17: memref<!tpu.dma_semaphore, #tpu.memory_space<semaphore_mem>>) attributes {dimension_semantics = [#tpu.dimension_semantics<core_parallel>, #tpu.dimension_semantics<subcore_parallel>], iteration_bounds = array<i64: 2, 16>, scalar_prefetch = 0 : i64, scratch_operands = 13 : i64, tpu.core_type = #tpu.core_type<sc_vector_subcore>, window_params = [{transform_indices = #map}, {transform_indices = #map1}, {transform_indices = #map}]} {
    %mul3A = arith.constant 2 : i32
    %mul3A_0 = arith.muli %arg1, %mul3A : i32
    %add3A = arith.addi %mul3A_0, %arg0 : i32
    %shift_right_logical3A = arith.constant 3 : i32
    %shift_right_logical3A_1 = arith.shrui %add3A, %shift_right_logical3A : i32
    %and3A = arith.constant 7 : i32
    %and3A_2 = arith.andi %add3A, %and3A : i32
    %mul3A_3 = arith.constant 200000 : i32
    %mul3A_4 = arith.muli %and3A_2, %mul3A_3 : i32
    %mul3A_5 = arith.constant 3200000 : i32
    %mul3A_6 = arith.muli %shift_right_logical3A_1, %mul3A_5 : i32
    %add3A_7 = arith.addi %mul3A_6, %mul3A_4 : i32
    %add3A_8 = arith.constant 1600000 : i32
    %add3A_9 = arith.addi %add3A_7, %add3A_8 : i32
    %broadcast_in_dim3A = arith.constant 0.000000e+00 : f32
    %broadcast_in_dim3A_10 = vector.broadcast %broadcast_in_dim3A : f32 to vector<16xf32>
    %scan3A = arith.constant 0 : i32
    %scan3A_11 = arith.constant 0 : i32
    %scan3A_12 = arith.constant 3128 : i32
    %scan3A_13 = arith.addi %scan3A_11, %scan3A_12 : i32
    %scan3A_14 = arith.constant 1 : i32
    scf.for %scan3A_39 = %scan3A_11 to %scan3A_13 step %scan3A_14  : i32 {
      %mul3A_40 = arith.constant 16 : i32
      %mul3A_41 = arith.muli %scan3A_39, %mul3A_40 : i32
      %swap3A = arith.index_cast %mul3A_41 : i32 to index
      %swap3A_42 = tpu.vector_load %arg5[%swap3A] {strides = array<i32>} : memref<50048xf32, #tpu.memory_space<vmem>>, vector<16xf32>,
      tpu.vector_store %arg5[%swap3A], %broadcast_in_dim3A_10 {strides = array<i32>} : memref<50048xf32, #tpu.memory_space<vmem>>, vector<16xf32>,
    }
    %scan3A_15 = arith.constant 3128 : i32
    %add3A_16 = arith.constant 0 : i32
    %add3A_17 = arith.addi %mul3A_4, %add3A_16 : i32
    %and3A_18 = arith.constant -128 : i32
    %and3A_19 = arith.andi %add3A_17, %and3A_18 : i32
    %multiple_of3A = tpu.assume_multiple %and3A_19, 128 : i32
    %add3A_20 = arith.constant 0 : i32
    %add3A_21 = arith.addi %add3A_7, %add3A_20 : i32
    %dma_start3A = tpu.memref_slice %arg2[%add3A_21] : memref<12800000xi32, #tpu.memory_space<hbm>> -> memref<4000xi32, #tpu.memory_space<hbm>>
    %dma_start3A_22 = tpu.memref_slice %arg2[%add3A_21] : memref<12800000xi32, #tpu.memory_space<hbm>> -> memref<4000xi32, #tpu.memory_space<hbm>>
    tpu.enqueue_dma source(%dma_start3A_22 : memref<4000xi32, #tpu.memory_space<hbm>>) target(%arg6 : memref<4000xi32, #tpu.memory_space<vmem>>) target_semaphore(%arg12 : memref<!tpu.dma_semaphore, #tpu.memory_space<semaphore_mem>>)
    %add3A_23 = arith.constant 0 : i32
    %add3A_24 = arith.addi %add3A_9, %add3A_23 : i32
    %dma_start3A_25 = tpu.memref_slice %arg2[%add3A_24] : memref<12800000xi32, #tpu.memory_space<hbm>> -> memref<4000xi32, #tpu.memory_space<hbm>>
    %dma_start3A_26 = tpu.memref_slice %arg2[%add3A_24] : memref<12800000xi32, #tpu.memory_space<hbm>> -> memref<4000xi32, #tpu.memory_space<hbm>>
    tpu.enqueue_dma source(%dma_start3A_26 : memref<4000xi32, #tpu.memory_space<hbm>>) target(%arg8 : memref<4000xi32, #tpu.memory_space<vmem>>) target_semaphore(%arg14 : memref<!tpu.dma_semaphore, #tpu.memory_space<semaphore_mem>>)
    %dma_start3A_27 = arith.constant 0 : i32
    %dma_start3A_28 = tpu.memref_slice %arg3[%dma_start3A_27, %multiple_of3A] : memref<4x1600000xf32, #tpu.memory_space<hbm>> -> memref<4x4224xf32, #tpu.memory_space<hbm>>
    %dma_start3A_29 = arith.constant 0 : i32
    %dma_start3A_30 = tpu.memref_slice %arg3[%dma_start3A_29, %multiple_of3A] : memref<4x1600000xf32, #tpu.memory_space<hbm>> -> memref<4x4224xf32, #tpu.memory_space<hbm>>
    tpu.enqueue_dma source(%dma_start3A_30 : memref<4x4224xf32, #tpu.memory_space<hbm>>) target(%arg10 : memref<4x4224xf32, #tpu.memory_space<vmem>>) target_semaphore(%arg16 : memref<!tpu.dma_semaphore, #tpu.memory_space<semaphore_mem>>)
    %scan3A_31 = arith.constant 0 : i32
    %scan3A_32 = arith.constant 0 : i32
    %scan3A_33 = arith.constant 25 : i32
    %scan3A_34 = arith.addi %scan3A_32, %scan3A_33 : i32
    %scan3A_35 = arith.constant 1 : i32
    scf.for %scan3A_39 = %scan3A_32 to %scan3A_34 step %scan3A_35  : i32 {
      %mul3A_40 = arith.constant 2 : i32
      %mul3A_41 = arith.muli %mul3A_40, %scan3A_39 : i32
      %mul3A_42 = arith.constant 2 : i32
      %mul3A_43 = arith.muli %mul3A_42, %scan3A_39 : i32
      %add3A_44 = arith.constant 1 : i32
      %add3A_45 = arith.addi %mul3A_43, %add3A_44 : i32
      %mul3A_46 = arith.constant 4000 : i32
      %mul3A_47 = arith.muli %add3A_45, %mul3A_46 : i32
      %add3A_48 = arith.addi %mul3A_4, %mul3A_47 : i32
      %and3A_49 = arith.constant -128 : i32
      %and3A_50 = arith.andi %add3A_48, %and3A_49 : i32
      %multiple_of3A_51 = tpu.assume_multiple %and3A_50, 128 : i32
      %add3A_52 = arith.addi %add3A_7, %mul3A_47 : i32
      %dma_start3A_53 = tpu.memref_slice %arg2[%add3A_52] : memref<12800000xi32, #tpu.memory_space<hbm>> -> memref<4000xi32, #tpu.memory_space<hbm>>
      %dma_start3A_54 = tpu.memref_slice %arg2[%add3A_52] : memref<12800000xi32, #tpu.memory_space<hbm>> -> memref<4000xi32, #tpu.memory_space<hbm>>
      tpu.enqueue_dma source(%dma_start3A_54 : memref<4000xi32, #tpu.memory_space<hbm>>) target(%arg7 : memref<4000xi32, #tpu.memory_space<vmem>>) target_semaphore(%arg13 : memref<!tpu.dma_semaphore, #tpu.memory_space<semaphore_mem>>)
      %add3A_55 = arith.addi %add3A_9, %mul3A_47 : i32
      %dma_start3A_56 = tpu.memref_slice %arg2[%add3A_55] : memref<12800000xi32, #tpu.memory_space<hbm>> -> memref<4000xi32, #tpu.memory_space<hbm>>
      %dma_start3A_57 = tpu.memref_slice %arg2[%add3A_55] : memref<12800000xi32, #tpu.memory_space<hbm>> -> memref<4000xi32, #tpu.memory_space<hbm>>
      tpu.enqueue_dma source(%dma_start3A_57 : memref<4000xi32, #tpu.memory_space<hbm>>) target(%arg9 : memref<4000xi32, #tpu.memory_space<vmem>>) target_semaphore(%arg15 : memref<!tpu.dma_semaphore, #tpu.memory_space<semaphore_mem>>)
      %dma_start3A_58 = arith.constant 0 : i32
      %dma_start3A_59 = tpu.memref_slice %arg3[%dma_start3A_58, %multiple_of3A_51] : memref<4x1600000xf32, #tpu.memory_space<hbm>> -> memref<4x4224xf32, #tpu.memory_space<hbm>>
      %dma_start3A_60 = arith.constant 0 : i32
      %dma_start3A_61 = tpu.memref_slice %arg3[%dma_start3A_60, %multiple_of3A_51] : memref<4x1600000xf32, #tpu.memory_space<hbm>> -> memref<4x4224xf32, #tpu.memory_space<hbm>>
      tpu.enqueue_dma source(%dma_start3A_61 : memref<4x4224xf32, #tpu.memory_space<hbm>>) target(%arg11 : memref<4x4224xf32, #tpu.memory_space<vmem>>) target_semaphore(%arg17 : memref<!tpu.dma_semaphore, #tpu.memory_space<semaphore_mem>>)
      %dma_wait3A = arith.constant 0 : i32
      %dma_wait3A_62 = tpu.memref_slice %arg2[%dma_wait3A] : memref<12800000xi32, #tpu.memory_space<hbm>> -> memref<4000xi32, #tpu.memory_space<hbm>>
      %dma_wait3A_63 = arith.constant 0 : i32
      %dma_wait3A_64 = tpu.memref_slice %arg2[%dma_wait3A_63] : memref<12800000xi32, #tpu.memory_space<hbm>> -> memref<4000xi32, #tpu.memory_space<hbm>>
      tpu.wait_dma2 semaphore(%arg12 : memref<!tpu.dma_semaphore, #tpu.memory_space<semaphore_mem>>) src(%dma_wait3A_64 : memref<4000xi32, #tpu.memory_space<hbm>>) dst(%arg6 : memref<4000xi32, #tpu.memory_space<vmem>>)
      %dma_wait3A_65 = arith.constant 0 : i32
      %dma_wait3A_66 = tpu.memref_slice %arg2[%dma_wait3A_65] : memref<12800000xi32, #tpu.memory_space<hbm>> -> memref<4000xi32, #tpu.memory_space<hbm>>
      %dma_wait3A_67 = arith.constant 0 : i32
      %dma_wait3A_68 = tpu.memref_slice %arg2[%dma_wait3A_67] : memref<12800000xi32, #tpu.memory_space<hbm>> -> memref<4000xi32, #tpu.memory_space<hbm>>
      tpu.wait_dma2 semaphore(%arg14 : memref<!tpu.dma_semaphore, #tpu.memory_space<semaphore_mem>>) src(%dma_wait3A_68 : memref<4000xi32, #tpu.memory_space<hbm>>) dst(%arg8 : memref<4000xi32, #tpu.memory_space<vmem>>)
      %dma_wait3A_69 = arith.constant 0 : i32
      %dma_wait3A_70 = arith.constant 0 : i32
      %dma_wait3A_71 = tpu.memref_slice %arg3[%dma_wait3A_69, %dma_wait3A_70] : memref<4x1600000xf32, #tpu.memory_space<hbm>> -> memref<4x4224xf32, #tpu.memory_space<hbm>>
      %dma_wait3A_72 = arith.constant 0 : i32
      %dma_wait3A_73 = arith.constant 0 : i32
      %dma_wait3A_74 = tpu.memref_slice %arg3[%dma_wait3A_72, %dma_wait3A_73] : memref<4x1600000xf32, #tpu.memory_space<hbm>> -> memref<4x4224xf32, #tpu.memory_space<hbm>>
      tpu.wait_dma2 semaphore(%arg16 : memref<!tpu.dma_semaphore, #tpu.memory_space<semaphore_mem>>) src(%dma_wait3A_74 : memref<4x4224xf32, #tpu.memory_space<hbm>>) dst(%arg10 : memref<4x4224xf32, #tpu.memory_space<vmem>>)
      %mul3A_75 = arith.constant 4000 : i32
      %mul3A_76 = arith.muli %mul3A_41, %mul3A_75 : i32
      %add3A_77 = arith.addi %mul3A_4, %mul3A_76 : i32
      %and3A_78 = arith.constant 127 : i32
      %and3A_79 = arith.andi %add3A_77, %and3A_78 : i32
      %get3A = arith.constant 0 : index
      %get3A_80 = tpu.vector_load %arg6[%get3A] {strides = array<i32>} : memref<4000xi32, #tpu.memory_space<vmem>>, vector<16xi32>,
      %get3A_81 = arith.constant 0 : index
      %get3A_82 = tpu.vector_load %arg8[%get3A_81] {strides = array<i32>} : memref<4000xi32, #tpu.memory_space<vmem>>, vector<16xi32>,
      %add3A_83 = arith.constant 0 : i32
      %add3A_84 = arith.addi %and3A_79, %add3A_83 : i32
      %get3A_85 = arith.index_cast %shift_right_logical3A_1 : i32 to index
      %get3A_86 = arith.index_cast %add3A_84 : i32 to index
      %get3A_87 = tpu.vector_load %arg10[%get3A_85, %get3A_86] {strides = array<i32>} : memref<4x4224xf32, #tpu.memory_space<vmem>>, vector<16xf32>,
      %get3A_88 = arith.constant 16 : index
      %get3A_89 = tpu.vector_load %arg6[%get3A_88] {strides = array<i32>} : memref<4000xi32, #tpu.memory_space<vmem>>, vector<16xi32>,
      %get3A_90 = arith.constant 16 : index
      %get3A_91 = tpu.vector_load %arg8[%get3A_90] {strides = array<i32>} : memref<4000xi32, #tpu.memory_space<vmem>>, vector<16xi32>,
      %add3A_92 = arith.constant 16 : i32
      %add3A_93 = arith.addi %and3A_79, %add3A_92 : i32
      %get3A_94 = arith.index_cast %shift_right_logical3A_1 : i32 to index
      %get3A_95 = arith.index_cast %add3A_93 : i32 to index
      %get3A_96 = tpu.vector_load %arg10[%get3A_94, %get3A_95] {strides = array<i32>} : memref<4x4224xf32, #tpu.memory_space<vmem>>, vector<16xf32>,
      %get3A_97 = arith.constant 32 : index
      %get3A_98 = tpu.vector_load %arg6[%get3A_97] {strides = array<i32>} : memref<4000xi32, #tpu.memory_space<vmem>>, vector<16xi32>,
      %get3A_99 = arith.constant 32 : index
      %get3A_100 = tpu.vector_load %arg8[%get3A_99] {strides = array<i32>} : memref<4000xi32, #tpu.memory_space<vmem>>, vector<16xi32>,
      %add3A_101 = arith.constant 32 : i32
      %add3A_102 = arith.addi %and3A_79, %add3A_101 : i32
      %get3A_103 = arith.index_cast %shift_right_logical3A_1 : i32 to index
      %get3A_104 = arith.index_cast %add3A_102 : i32 to index
      %get3A_105 = tpu.vector_load %arg10[%get3A_103, %get3A_104] {strides = array<i32>} : memref<4x4224xf32, #tpu.memory_space<vmem>>, vector<16xf32>,
      %get3A_106 = arith.constant 48 : index
      %get3A_107 = tpu.vector_load %arg6[%get3A_106] {strides = array<i32>} : memref<4000xi32, #tpu.memory_space<vmem>>, vector<16xi32>,
      %get3A_108 = arith.constant 48 : index
      %get3A_109 = tpu.vector_load %arg8[%get3A_108] {strides = array<i32>} : memref<4000xi32, #tpu.memory_space<vmem>>, vector<16xi32>,
      %add3A_110 = arith.constant 48 : i32
      %add3A_111 = arith.addi %and3A_79, %add3A_110 : i32
      %get3A_112 = arith.index_cast %shift_right_logical3A_1 : i32 to index
      %get3A_113 = arith.index_cast %add3A_111 : i32 to index
      %get3A_114 = tpu.vector_load %arg10[%get3A_112, %get3A_113] {strides = array<i32>} : memref<4x4224xf32, #tpu.memory_space<vmem>>, vector<16xf32>,
      %get3A_115 = arith.constant 64 : index
      %get3A_116 = tpu.vector_load %arg6[%get3A_115] {strides = array<i32>} : memref<4000xi32, #tpu.memory_space<vmem>>, vector<16xi32>,
      %get3A_117 = arith.constant 64 : index
      %get3A_118 = tpu.vector_load %arg8[%get3A_117] {strides = array<i32>} : memref<4000xi32, #tpu.memory_space<vmem>>, vector<16xi32>,
      %add3A_119 = arith.constant 64 : i32
      %add3A_120 = arith.addi %and3A_79, %add3A_119 : i32
      %get3A_121 = arith.index_cast %shift_right_logical3A_1 : i32 to index
      %get3A_122 = arith.index_cast %add3A_120 : i32 to index
      %get3A_123 = tpu.vector_load %arg10[%get3A_121, %get3A_122] {strides = array<i32>} : memref<4x4224xf32, #tpu.memory_space<vmem>>, vector<16xf32>,
      %scan3A_124 = arith.constant 0 : i32
      %scan3A_125 = arith.constant 49 : i32
      %scan3A_126 = arith.addi %scan3A_124, %scan3A_125 : i32
      %scan3A_127 = arith.constant 1 : i32
      %scan3A_128:15 = scf.for %scan3A_204 = %scan3A_124 to %scan3A_126 step %scan3A_127 iter_args(%scan3A_205 = %get3A_80, %scan3A_206 = %get3A_82, %scan3A_207 = %get3A_87, %scan3A_208 = %get3A_89, %scan3A_209 = %get3A_91, %scan3A_210 = %get3A_96, %scan3A_211 = %get3A_98, %scan3A_212 = %get3A_100, %scan3A_213 = %get3A_105, %scan3A_214 = %get3A_107, %scan3A_215 = %get3A_109, %scan3A_216 = %get3A_114, %scan3A_217 = %get3A_116, %scan3A_218 = %get3A_118, %scan3A_219 = %get3A_123) -> (vector<16xi32>, vector<16xi32>, vector<16xf32>, vector<16xi32>, vector<16xi32>, vector<16xf32>, vector<16xi32>, vector<16xi32>, vector<16xf32>, vector<16xi32>, vector<16xi32>, vector<16xf32>, vector<16xi32>, vector<16xi32>, vector<16xf32>)  : i32 {
        tpu.vector_store_idx %arg5[%scan3A_205], %scan3A_207 {add = true} : memref<50048xf32, #tpu.memory_space<vmem>>[vector<16xi32>], vector<16xf32>,
        tpu.vector_store_idx %arg5[%scan3A_206], %scan3A_207 {add = true} : memref<50048xf32, #tpu.memory_space<vmem>>[vector<16xi32>], vector<16xf32>,
        tpu.vector_store_idx %arg5[%scan3A_208], %scan3A_210 {add = true} : memref<50048xf32, #tpu.memory_space<vmem>>[vector<16xi32>], vector<16xf32>,
        tpu.vector_store_idx %arg5[%scan3A_209], %scan3A_210 {add = true} : memref<50048xf32, #tpu.memory_space<vmem>>[vector<16xi32>], vector<16xf32>,
        tpu.vector_store_idx %arg5[%scan3A_211], %scan3A_213 {add = true} : memref<50048xf32, #tpu.memory_space<vmem>>[vector<16xi32>], vector<16xf32>,
        tpu.vector_store_idx %arg5[%scan3A_212], %scan3A_213 {add = true} : memref<50048xf32, #tpu.memory_space<vmem>>[vector<16xi32>], vector<16xf32>,
        tpu.vector_store_idx %arg5[%scan3A_214], %scan3A_216 {add = true} : memref<50048xf32, #tpu.memory_space<vmem>>[vector<16xi32>], vector<16xf32>,
        tpu.vector_store_idx %arg5[%scan3A_215], %scan3A_216 {add = true} : memref<50048xf32, #tpu.memory_space<vmem>>[vector<16xi32>], vector<16xf32>,
        tpu.vector_store_idx %arg5[%scan3A_217], %scan3A_219 {add = true} : memref<50048xf32, #tpu.memory_space<vmem>>[vector<16xi32>], vector<16xf32>,
        tpu.vector_store_idx %arg5[%scan3A_218], %scan3A_219 {add = true} : memref<50048xf32, #tpu.memory_space<vmem>>[vector<16xi32>], vector<16xf32>,
        %add3A_220 = arith.constant 1 : i32
        %add3A_221 = arith.addi %scan3A_204, %add3A_220 : i32
        %mul3A_222 = arith.constant 80 : i32
        %mul3A_223 = arith.muli %add3A_221, %mul3A_222 : i32
        %add3A_224 = arith.constant 0 : i32
        %add3A_225 = arith.addi %mul3A_223, %add3A_224 : i32
        %get3A_226 = arith.index_cast %add3A_225 : i32 to index
        %get3A_227 = tpu.vector_load %arg6[%get3A_226] {strides = array<i32>} : memref<4000xi32, #tpu.memory_space<vmem>>, vector<16xi32>,
        %get3A_228 = arith.index_cast %add3A_225 : i32 to index
        %get3A_229 = tpu.vector_load %arg8[%get3A_228] {strides = array<i32>} : memref<4000xi32, #tpu.memory_space<vmem>>, vector<16xi32>,
        %add3A_230 = arith.addi %and3A_79, %add3A_225 : i32
        %get3A_231 = arith.index_cast %shift_right_logical3A_1 : i32 to index
        %get3A_232 = arith.index_cast %add3A_230 : i32 to index
        %get3A_233 = tpu.vector_load %arg10[%get3A_231, %get3A_232] {strides = array<i32>} : memref<4x4224xf32, #tpu.memory_space<vmem>>, vector<16xf32>,
        %mul3A_234 = arith.constant 80 : i32
        %mul3A_235 = arith.muli %add3A_221, %mul3A_234 : i32
        %add3A_236 = arith.constant 16 : i32
        %add3A_237 = arith.addi %mul3A_235, %add3A_236 : i32
        %get3A_238 = arith.index_cast %add3A_237 : i32 to index
        %get3A_239 = tpu.vector_load %arg6[%get3A_238] {strides = array<i32>} : memref<4000xi32, #tpu.memory_space<vmem>>, vector<16xi32>,
        %get3A_240 = arith.index_cast %add3A_237 : i32 to index
        %get3A_241 = tpu.vector_load %arg8[%get3A_240] {strides = array<i32>} : memref<4000xi32, #tpu.memory_space<vmem>>, vector<16xi32>,
        %add3A_242 = arith.addi %and3A_79, %add3A_237 : i32
        %get3A_243 = arith.index_cast %shift_right_logical3A_1 : i32 to index
        %get3A_244 = arith.index_cast %add3A_242 : i32 to index
        %get3A_245 = tpu.vector_load %arg10[%get3A_243, %get3A_244] {strides = array<i32>} : memref<4x4224xf32, #tpu.memory_space<vmem>>, vector<16xf32>,
        %mul3A_246 = arith.constant 80 : i32
        %mul3A_247 = arith.muli %add3A_221, %mul3A_246 : i32
        %add3A_248 = arith.constant 32 : i32
        %add3A_249 = arith.addi %mul3A_247, %add3A_248 : i32
        %get3A_250 = arith.index_cast %add3A_249 : i32 to index
        %get3A_251 = tpu.vector_load %arg6[%get3A_250] {strides = array<i32>} : memref<4000xi32, #tpu.memory_space<vmem>>, vector<16xi32>,
        %get3A_252 = arith.index_cast %add3A_249 : i32 to index
        %get3A_253 = tpu.vector_load %arg8[%get3A_252] {strides = array<i32>} : memref<4000xi32, #tpu.memory_space<vmem>>, vector<16xi32>,
        %add3A_254 = arith.addi %and3A_79, %add3A_249 : i32
        %get3A_255 = arith.index_cast %shift_right_logical3A_1 : i32 to index
        %get3A_256 = arith.index_cast %add3A_254 : i32 to index
        %get3A_257 = tpu.vector_load %arg10[%get3A_255, %get3A_256] {strides = array<i32>} : memref<4x4224xf32, #tpu.memory_space<vmem>>, vector<16xf32>,
        %mul3A_258 = arith.constant 80 : i32
        %mul3A_259 = arith.muli %add3A_221, %mul3A_258 : i32
        %add3A_260 = arith.constant 48 : i32
        %add3A_261 = arith.addi %mul3A_259, %add3A_260 : i32
        %get3A_262 = arith.index_cast %add3A_261 : i32 to index
        %get3A_263 = tpu.vector_load %arg6[%get3A_262] {strides = array<i32>} : memref<4000xi32, #tpu.memory_space<vmem>>, vector<16xi32>,
        %get3A_264 = arith.index_cast %add3A_261 : i32 to index
        %get3A_265 = tpu.vector_load %arg8[%get3A_264] {strides = array<i32>} : memref<4000xi32, #tpu.memory_space<vmem>>, vector<16xi32>,
        %add3A_266 = arith.addi %and3A_79, %add3A_261 : i32
        %get3A_267 = arith.index_cast %shift_right_logical3A_1 : i32 to index
        %get3A_268 = arith.index_cast %add3A_266 : i32 to index
        %get3A_269 = tpu.vector_load %arg10[%get3A_267, %get3A_268] {strides = array<i32>} : memref<4x4224xf32, #tpu.memory_space<vmem>>, vector<16xf32>,
        %mul3A_270 = arith.constant 80 : i32
        %mul3A_271 = arith.muli %add3A_221, %mul3A_270 : i32
        %add3A_272 = arith.constant 64 : i32
        %add3A_273 = arith.addi %mul3A_271, %add3A_272 : i32
        %get3A_274 = arith.index_cast %add3A_273 : i32 to index
        %get3A_275 = tpu.vector_load %arg6[%get3A_274] {strides = array<i32>} : memref<4000xi32, #tpu.memory_space<vmem>>, vector<16xi32>,
        %get3A_276 = arith.index_cast %add3A_273 : i32 to index
        %get3A_277 = tpu.vector_load %arg8[%get3A_276] {strides = array<i32>} : memref<4000xi32, #tpu.memory_space<vmem>>, vector<16xi32>,
        %add3A_278 = arith.addi %and3A_79, %add3A_273 : i32
        %get3A_279 = arith.index_cast %shift_right_logical3A_1 : i32 to index
        %get3A_280 = arith.index_cast %add3A_278 : i32 to index
        %get3A_281 = tpu.vector_load %arg10[%get3A_279, %get3A_280] {strides = array<i32>} : memref<4x4224xf32, #tpu.memory_space<vmem>>, vector<16xf32>,
        scf.yield %get3A_227, %get3A_229, %get3A_233, %get3A_239, %get3A_241, %get3A_245, %get3A_251, %get3A_253, %get3A_257, %get3A_263, %get3A_265, %get3A_269, %get3A_275, %get3A_277, %get3A_281 : vector<16xi32>, vector<16xi32>, vector<16xf32>, vector<16xi32>, vector<16xi32>, vector<16xf32>, vector<16xi32>, vector<16xi32>, vector<16xf32>, vector<16xi32>, vector<16xi32>, vector<16xf32>, vector<16xi32>, vector<16xi32>, vector<16xf32>
      }
      %scan3A_129 = arith.constant 49 : i32
      tpu.vector_store_idx %arg5[%scan3A_128#0], %scan3A_128#2 {add = true} : memref<50048xf32, #tpu.memory_space<vmem>>[vector<16xi32>], vector<16xf32>,
      tpu.vector_store_idx %arg5[%scan3A_128#1], %scan3A_128#2 {add = true} : memref<50048xf32, #tpu.memory_space<vmem>>[vector<16xi32>], vector<16xf32>,
      tpu.vector_store_idx %arg5[%scan3A_128#3], %scan3A_128#5 {add = true} : memref<50048xf32, #tpu.memory_space<vmem>>[vector<16xi32>], vector<16xf32>,
      tpu.vector_store_idx %arg5[%scan3A_128#4], %scan3A_128#5 {add = true} : memref<50048xf32, #tpu.memory_space<vmem>>[vector<16xi32>], vector<16xf32>,
      tpu.vector_store_idx %arg5[%scan3A_128#6], %scan3A_128#8 {add = true} : memref<50048xf32, #tpu.memory_space<vmem>>[vector<16xi32>], vector<16xf32>,
      tpu.vector_store_idx %arg5[%scan3A_128#7], %scan3A_128#8 {add = true} : memref<50048xf32, #tpu.memory_space<vmem>>[vector<16xi32>], vector<16xf32>,
      tpu.vector_store_idx %arg5[%scan3A_128#9], %scan3A_128#11 {add = true} : memref<50048xf32, #tpu.memory_space<vmem>>[vector<16xi32>], vector<16xf32>,
      tpu.vector_store_idx %arg5[%scan3A_128#10], %scan3A_128#11 {add = true} : memref<50048xf32, #tpu.memory_space<vmem>>[vector<16xi32>], vector<16xf32>,
      tpu.vector_store_idx %arg5[%scan3A_128#12], %scan3A_128#14 {add = true} : memref<50048xf32, #tpu.memory_space<vmem>>[vector<16xi32>], vector<16xf32>,
      tpu.vector_store_idx %arg5[%scan3A_128#13], %scan3A_128#14 {add = true} : memref<50048xf32, #tpu.memory_space<vmem>>[vector<16xi32>], vector<16xf32>,
      %add3A_130 = arith.constant 2 : i32
      %add3A_131 = arith.addi %mul3A_41, %add3A_130 : i32
      %lt3A = arith.constant 50 : i32
      %lt3A_132 = arith.cmpi slt, %add3A_131, %lt3A : i32
      %convert_element_type3A = arith.extui %lt3A_132 : i1 to i32
      %cond3A = arith.constant 0 : i32
      %cond3A_133 = arith.cmpi ne, %convert_element_type3A, %cond3A : i32
      scf.if %cond3A_133 {
        %add3A_204 = arith.constant 2 : i32
        %add3A_205 = arith.addi %mul3A_41, %add3A_204 : i32
        %mul3A_206 = arith.constant 4000 : i32
        %mul3A_207 = arith.muli %add3A_205, %mul3A_206 : i32
        %add3A_208 = arith.addi %mul3A_4, %mul3A_207 : i32
        %and3A_209 = arith.constant -128 : i32
        %and3A_210 = arith.andi %add3A_208, %and3A_209 : i32
        %multiple_of3A_211 = tpu.assume_multiple %and3A_210, 128 : i32
        %add3A_212 = arith.addi %add3A_7, %mul3A_207 : i32
        %dma_start3A_213 = tpu.memref_slice %arg2[%add3A_212] : memref<12800000xi32, #tpu.memory_space<hbm>> -> memref<4000xi32, #tpu.memory_space<hbm>>
        %dma_start3A_214 = tpu.memref_slice %arg2[%add3A_212] : memref<12800000xi32, #tpu.memory_space<hbm>> -> memref<4000xi32, #tpu.memory_space<hbm>>
        tpu.enqueue_dma source(%dma_start3A_214 : memref<4000xi32, #tpu.memory_space<hbm>>) target(%arg6 : memref<4000xi32, #tpu.memory_space<vmem>>) target_semaphore(%arg12 : memref<!tpu.dma_semaphore, #tpu.memory_space<semaphore_mem>>)
        %add3A_215 = arith.addi %add3A_9, %mul3A_207 : i32
        %dma_start3A_216 = tpu.memref_slice %arg2[%add3A_215] : memref<12800000xi32, #tpu.memory_space<hbm>> -> memref<4000xi32, #tpu.memory_space<hbm>>
        %dma_start3A_217 = tpu.memref_slice %arg2[%add3A_215] : memref<12800000xi32, #tpu.memory_space<hbm>> -> memref<4000xi32, #tpu.memory_space<hbm>>
        tpu.enqueue_dma source(%dma_start3A_217 : memref<4000xi32, #tpu.memory_space<hbm>>) target(%arg8 : memref<4000xi32, #tpu.memory_space<vmem>>) target_semaphore(%arg14 : memref<!tpu.dma_semaphore, #tpu.memory_space<semaphore_mem>>)
        %dma_start3A_218 = arith.constant 0 : i32
        %dma_start3A_219 = tpu.memref_slice %arg3[%dma_start3A_218, %multiple_of3A_211] : memref<4x1600000xf32, #tpu.memory_space<hbm>> -> memref<4x4224xf32, #tpu.memory_space<hbm>>
        %dma_start3A_220 = arith.constant 0 : i32
        %dma_start3A_221 = tpu.memref_slice %arg3[%dma_start3A_220, %multiple_of3A_211] : memref<4x1600000xf32, #tpu.memory_space<hbm>> -> memref<4x4224xf32, #tpu.memory_space<hbm>>
        tpu.enqueue_dma source(%dma_start3A_221 : memref<4x4224xf32, #tpu.memory_space<hbm>>) target(%arg10 : memref<4x4224xf32, #tpu.memory_space<vmem>>) target_semaphore(%arg16 : memref<!tpu.dma_semaphore, #tpu.memory_space<semaphore_mem>>)
      } else {
      }
      %dma_wait3A_134 = arith.constant 0 : i32
      %dma_wait3A_135 = tpu.memref_slice %arg2[%dma_wait3A_134] : memref<12800000xi32, #tpu.memory_space<hbm>> -> memref<4000xi32, #tpu.memory_space<hbm>>
      %dma_wait3A_136 = arith.constant 0 : i32
      %dma_wait3A_137 = tpu.memref_slice %arg2[%dma_wait3A_136] : memref<12800000xi32, #tpu.memory_space<hbm>> -> memref<4000xi32, #tpu.memory_space<hbm>>
      tpu.wait_dma2 semaphore(%arg13 : memref<!tpu.dma_semaphore, #tpu.memory_space<semaphore_mem>>) src(%dma_wait3A_137 : memref<4000xi32, #tpu.memory_space<hbm>>) dst(%arg7 : memref<4000xi32, #tpu.memory_space<vmem>>)
      %dma_wait3A_138 = arith.constant 0 : i32
      %dma_wait3A_139 = tpu.memref_slice %arg2[%dma_wait3A_138] : memref<12800000xi32, #tpu.memory_space<hbm>> -> memref<4000xi32, #tpu.memory_space<hbm>>
      %dma_wait3A_140 = arith.constant 0 : i32
      %dma_wait3A_141 = tpu.memref_slice %arg2[%dma_wait3A_140] : memref<12800000xi32, #tpu.memory_space<hbm>> -> memref<4000xi32, #tpu.memory_space<hbm>>
      tpu.wait_dma2 semaphore(%arg15 : memref<!tpu.dma_semaphore, #tpu.memory_space<semaphore_mem>>) src(%dma_wait3A_141 : memref<4000xi32, #tpu.memory_space<hbm>>) dst(%arg9 : memref<4000xi32, #tpu.memory_space<vmem>>)
      %dma_wait3A_142 = arith.constant 0 : i32
      %dma_wait3A_143 = arith.constant 0 : i32
      %dma_wait3A_144 = tpu.memref_slice %arg3[%dma_wait3A_142, %dma_wait3A_143] : memref<4x1600000xf32, #tpu.memory_space<hbm>> -> memref<4x4224xf32, #tpu.memory_space<hbm>>
      %dma_wait3A_145 = arith.constant 0 : i32
      %dma_wait3A_146 = arith.constant 0 : i32
      %dma_wait3A_147 = tpu.memref_slice %arg3[%dma_wait3A_145, %dma_wait3A_146] : memref<4x1600000xf32, #tpu.memory_space<hbm>> -> memref<4x4224xf32, #tpu.memory_space<hbm>>
      tpu.wait_dma2 semaphore(%arg17 : memref<!tpu.dma_semaphore, #tpu.memory_space<semaphore_mem>>) src(%dma_wait3A_147 : memref<4x4224xf32, #tpu.memory_space<hbm>>) dst(%arg11 : memref<4x4224xf32, #tpu.memory_space<vmem>>)
      %mul3A_148 = arith.constant 4000 : i32
      %mul3A_149 = arith.muli %add3A_45, %mul3A_148 : i32
      %add3A_150 = arith.addi %mul3A_4, %mul3A_149 : i32
      %and3A_151 = arith.constant 127 : i32
      %and3A_152 = arith.andi %add3A_150, %and3A_151 : i32
      %get3A_153 = arith.constant 0 : index
      %get3A_154 = tpu.vector_load %arg7[%get3A_153] {strides = array<i32>} : memref<4000xi32, #tpu.memory_space<vmem>>, vector<16xi32>,
      %get3A_155 = arith.constant 0 : index
      %get3A_156 = tpu.vector_load %arg9[%get3A_155] {strides = array<i32>} : memref<4000xi32, #tpu.memory_space<vmem>>, vector<16xi32>,
      %add3A_157 = arith.constant 0 : i32
      %add3A_158 = arith.addi %and3A_152, %add3A_157 : i32
      %get3A_159 = arith.index_cast %shift_right_logical3A_1 : i32 to index
      %get3A_160 = arith.index_cast %add3A_158 : i32 to index
      %get3A_161 = tpu.vector_load %arg11[%get3A_159, %get3A_160] {strides = array<i32>} : memref<4x4224xf32, #tpu.memory_space<vmem>>, vector<16xf32>,
      %get3A_162 = arith.constant 16 : index
      %get3A_163 = tpu.vector_load %arg7[%get3A_162] {strides = array<i32>} : memref<4000xi32, #tpu.memory_space<vmem>>, vector<16xi32>,
      %get3A_164 = arith.constant 16 : index
      %get3A_165 = tpu.vector_load %arg9[%get3A_164] {strides = array<i32>} : memref<4000xi32, #tpu.memory_space<vmem>>, vector<16xi32>,
      %add3A_166 = arith.constant 16 : i32
      %add3A_167 = arith.addi %and3A_152, %add3A_166 : i32
      %get3A_168 = arith.index_cast %shift_right_logical3A_1 : i32 to index
      %get3A_169 = arith.index_cast %add3A_167 : i32 to index
      %get3A_170 = tpu.vector_load %arg11[%get3A_168, %get3A_169] {strides = array<i32>} : memref<4x4224xf32, #tpu.memory_space<vmem>>, vector<16xf32>,
      %get3A_171 = arith.constant 32 : index
      %get3A_172 = tpu.vector_load %arg7[%get3A_171] {strides = array<i32>} : memref<4000xi32, #tpu.memory_space<vmem>>, vector<16xi32>,
      %get3A_173 = arith.constant 32 : index
      %get3A_174 = tpu.vector_load %arg9[%get3A_173] {strides = array<i32>} : memref<4000xi32, #tpu.memory_space<vmem>>, vector<16xi32>,
      %add3A_175 = arith.constant 32 : i32
      %add3A_176 = arith.addi %and3A_152, %add3A_175 : i32
      %get3A_177 = arith.index_cast %shift_right_logical3A_1 : i32 to index
      %get3A_178 = arith.index_cast %add3A_176 : i32 to index
      %get3A_179 = tpu.vector_load %arg11[%get3A_177, %get3A_178] {strides = array<i32>} : memref<4x4224xf32, #tpu.memory_space<vmem>>, vector<16xf32>,
      %get3A_180 = arith.constant 48 : index
      %get3A_181 = tpu.vector_load %arg7[%get3A_180] {strides = array<i32>} : memref<4000xi32, #tpu.memory_space<vmem>>, vector<16xi32>,
      %get3A_182 = arith.constant 48 : index
      %get3A_183 = tpu.vector_load %arg9[%get3A_182] {strides = array<i32>} : memref<4000xi32, #tpu.memory_space<vmem>>, vector<16xi32>,
      %add3A_184 = arith.constant 48 : i32
      %add3A_185 = arith.addi %and3A_152, %add3A_184 : i32
      %get3A_186 = arith.index_cast %shift_right_logical3A_1 : i32 to index
      %get3A_187 = arith.index_cast %add3A_185 : i32 to index
      %get3A_188 = tpu.vector_load %arg11[%get3A_186, %get3A_187] {strides = array<i32>} : memref<4x4224xf32, #tpu.memory_space<vmem>>, vector<16xf32>,
      %get3A_189 = arith.constant 64 : index
      %get3A_190 = tpu.vector_load %arg7[%get3A_189] {strides = array<i32>} : memref<4000xi32, #tpu.memory_space<vmem>>, vector<16xi32>,
      %get3A_191 = arith.constant 64 : index
      %get3A_192 = tpu.vector_load %arg9[%get3A_191] {strides = array<i32>} : memref<4000xi32, #tpu.memory_space<vmem>>, vector<16xi32>,
      %add3A_193 = arith.constant 64 : i32
      %add3A_194 = arith.addi %and3A_152, %add3A_193 : i32
      %get3A_195 = arith.index_cast %shift_right_logical3A_1 : i32 to index
      %get3A_196 = arith.index_cast %add3A_194 : i32 to index
      %get3A_197 = tpu.vector_load %arg11[%get3A_195, %get3A_196] {strides = array<i32>} : memref<4x4224xf32, #tpu.memory_space<vmem>>, vector<16xf32>,
      %scan3A_198 = arith.constant 0 : i32
      %scan3A_199 = arith.constant 49 : i32
      %scan3A_200 = arith.addi %scan3A_198, %scan3A_199 : i32
      %scan3A_201 = arith.constant 1 : i32
      %scan3A_202:15 = scf.for %scan3A_204 = %scan3A_198 to %scan3A_200 step %scan3A_201 iter_args(%scan3A_205 = %get3A_154, %scan3A_206 = %get3A_156, %scan3A_207 = %get3A_161, %scan3A_208 = %get3A_163, %scan3A_209 = %get3A_165, %scan3A_210 = %get3A_170, %scan3A_211 = %get3A_172, %scan3A_212 = %get3A_174, %scan3A_213 = %get3A_179, %scan3A_214 = %get3A_181, %scan3A_215 = %get3A_183, %scan3A_216 = %get3A_188, %scan3A_217 = %get3A_190, %scan3A_218 = %get3A_192, %scan3A_219 = %get3A_197) -> (vector<16xi32>, vector<16xi32>, vector<16xf32>, vector<16xi32>, vector<16xi32>, vector<16xf32>, vector<16xi32>, vector<16xi32>, vector<16xf32>, vector<16xi32>, vector<16xi32>, vector<16xf32>, vector<16xi32>, vector<16xi32>, vector<16xf32>)  : i32 {
        tpu.vector_store_idx %arg5[%scan3A_205], %scan3A_207 {add = true} : memref<50048xf32, #tpu.memory_space<vmem>>[vector<16xi32>], vector<16xf32>,
        tpu.vector_store_idx %arg5[%scan3A_206], %scan3A_207 {add = true} : memref<50048xf32, #tpu.memory_space<vmem>>[vector<16xi32>], vector<16xf32>,
        tpu.vector_store_idx %arg5[%scan3A_208], %scan3A_210 {add = true} : memref<50048xf32, #tpu.memory_space<vmem>>[vector<16xi32>], vector<16xf32>,
        tpu.vector_store_idx %arg5[%scan3A_209], %scan3A_210 {add = true} : memref<50048xf32, #tpu.memory_space<vmem>>[vector<16xi32>], vector<16xf32>,
        tpu.vector_store_idx %arg5[%scan3A_211], %scan3A_213 {add = true} : memref<50048xf32, #tpu.memory_space<vmem>>[vector<16xi32>], vector<16xf32>,
        tpu.vector_store_idx %arg5[%scan3A_212], %scan3A_213 {add = true} : memref<50048xf32, #tpu.memory_space<vmem>>[vector<16xi32>], vector<16xf32>,
        tpu.vector_store_idx %arg5[%scan3A_214], %scan3A_216 {add = true} : memref<50048xf32, #tpu.memory_space<vmem>>[vector<16xi32>], vector<16xf32>,
        tpu.vector_store_idx %arg5[%scan3A_215], %scan3A_216 {add = true} : memref<50048xf32, #tpu.memory_space<vmem>>[vector<16xi32>], vector<16xf32>,
        tpu.vector_store_idx %arg5[%scan3A_217], %scan3A_219 {add = true} : memref<50048xf32, #tpu.memory_space<vmem>>[vector<16xi32>], vector<16xf32>,
        tpu.vector_store_idx %arg5[%scan3A_218], %scan3A_219 {add = true} : memref<50048xf32, #tpu.memory_space<vmem>>[vector<16xi32>], vector<16xf32>,
        %add3A_220 = arith.constant 1 : i32
        %add3A_221 = arith.addi %scan3A_204, %add3A_220 : i32
        %mul3A_222 = arith.constant 80 : i32
        %mul3A_223 = arith.muli %add3A_221, %mul3A_222 : i32
        %add3A_224 = arith.constant 0 : i32
        %add3A_225 = arith.addi %mul3A_223, %add3A_224 : i32
        %get3A_226 = arith.index_cast %add3A_225 : i32 to index
        %get3A_227 = tpu.vector_load %arg7[%get3A_226] {strides = array<i32>} : memref<4000xi32, #tpu.memory_space<vmem>>, vector<16xi32>,
        %get3A_228 = arith.index_cast %add3A_225 : i32 to index
        %get3A_229 = tpu.vector_load %arg9[%get3A_228] {strides = array<i32>} : memref<4000xi32, #tpu.memory_space<vmem>>, vector<16xi32>,
        %add3A_230 = arith.addi %and3A_152, %add3A_225 : i32
        %get3A_231 = arith.index_cast %shift_right_logical3A_1 : i32 to index
        %get3A_232 = arith.index_cast %add3A_230 : i32 to index
        %get3A_233 = tpu.vector_load %arg11[%get3A_231, %get3A_232] {strides = array<i32>} : memref<4x4224xf32, #tpu.memory_space<vmem>>, vector<16xf32>,
        %mul3A_234 = arith.constant 80 : i32
        %mul3A_235 = arith.muli %add3A_221, %mul3A_234 : i32
        %add3A_236 = arith.constant 16 : i32
        %add3A_237 = arith.addi %mul3A_235, %add3A_236 : i32
        %get3A_238 = arith.index_cast %add3A_237 : i32 to index
        %get3A_239 = tpu.vector_load %arg7[%get3A_238] {strides = array<i32>} : memref<4000xi32, #tpu.memory_space<vmem>>, vector<16xi32>,
        %get3A_240 = arith.index_cast %add3A_237 : i32 to index
        %get3A_241 = tpu.vector_load %arg9[%get3A_240] {strides = array<i32>} : memref<4000xi32, #tpu.memory_space<vmem>>, vector<16xi32>,
        %add3A_242 = arith.addi %and3A_152, %add3A_237 : i32
        %get3A_243 = arith.index_cast %shift_right_logical3A_1 : i32 to index
        %get3A_244 = arith.index_cast %add3A_242 : i32 to index
        %get3A_245 = tpu.vector_load %arg11[%get3A_243, %get3A_244] {strides = array<i32>} : memref<4x4224xf32, #tpu.memory_space<vmem>>, vector<16xf32>,
        %mul3A_246 = arith.constant 80 : i32
        %mul3A_247 = arith.muli %add3A_221, %mul3A_246 : i32
        %add3A_248 = arith.constant 32 : i32
        %add3A_249 = arith.addi %mul3A_247, %add3A_248 : i32
        %get3A_250 = arith.index_cast %add3A_249 : i32 to index
        %get3A_251 = tpu.vector_load %arg7[%get3A_250] {strides = array<i32>} : memref<4000xi32, #tpu.memory_space<vmem>>, vector<16xi32>,
        %get3A_252 = arith.index_cast %add3A_249 : i32 to index
        %get3A_253 = tpu.vector_load %arg9[%get3A_252] {strides = array<i32>} : memref<4000xi32, #tpu.memory_space<vmem>>, vector<16xi32>,
        %add3A_254 = arith.addi %and3A_152, %add3A_249 : i32
        %get3A_255 = arith.index_cast %shift_right_logical3A_1 : i32 to index
        %get3A_256 = arith.index_cast %add3A_254 : i32 to index
        %get3A_257 = tpu.vector_load %arg11[%get3A_255, %get3A_256] {strides = array<i32>} : memref<4x4224xf32, #tpu.memory_space<vmem>>, vector<16xf32>,
        %mul3A_258 = arith.constant 80 : i32
        %mul3A_259 = arith.muli %add3A_221, %mul3A_258 : i32
        %add3A_260 = arith.constant 48 : i32
        %add3A_261 = arith.addi %mul3A_259, %add3A_260 : i32
        %get3A_262 = arith.index_cast %add3A_261 : i32 to index
        %get3A_263 = tpu.vector_load %arg7[%get3A_262] {strides = array<i32>} : memref<4000xi32, #tpu.memory_space<vmem>>, vector<16xi32>,
        %get3A_264 = arith.index_cast %add3A_261 : i32 to index
        %get3A_265 = tpu.vector_load %arg9[%get3A_264] {strides = array<i32>} : memref<4000xi32, #tpu.memory_space<vmem>>, vector<16xi32>,
        %add3A_266 = arith.addi %and3A_152, %add3A_261 : i32
        %get3A_267 = arith.index_cast %shift_right_logical3A_1 : i32 to index
        %get3A_268 = arith.index_cast %add3A_266 : i32 to index
        %get3A_269 = tpu.vector_load %arg11[%get3A_267, %get3A_268] {strides = array<i32>} : memref<4x4224xf32, #tpu.memory_space<vmem>>, vector<16xf32>,
        %mul3A_270 = arith.constant 80 : i32
        %mul3A_271 = arith.muli %add3A_221, %mul3A_270 : i32
        %add3A_272 = arith.constant 64 : i32
        %add3A_273 = arith.addi %mul3A_271, %add3A_272 : i32
        %get3A_274 = arith.index_cast %add3A_273 : i32 to index
        %get3A_275 = tpu.vector_load %arg7[%get3A_274] {strides = array<i32>} : memref<4000xi32, #tpu.memory_space<vmem>>, vector<16xi32>,
        %get3A_276 = arith.index_cast %add3A_273 : i32 to index
        %get3A_277 = tpu.vector_load %arg9[%get3A_276] {strides = array<i32>} : memref<4000xi32, #tpu.memory_space<vmem>>, vector<16xi32>,
        %add3A_278 = arith.addi %and3A_152, %add3A_273 : i32
        %get3A_279 = arith.index_cast %shift_right_logical3A_1 : i32 to index
        %get3A_280 = arith.index_cast %add3A_278 : i32 to index
        %get3A_281 = tpu.vector_load %arg11[%get3A_279, %get3A_280] {strides = array<i32>} : memref<4x4224xf32, #tpu.memory_space<vmem>>, vector<16xf32>,
        scf.yield %get3A_227, %get3A_229, %get3A_233, %get3A_239, %get3A_241, %get3A_245, %get3A_251, %get3A_253, %get3A_257, %get3A_263, %get3A_265, %get3A_269, %get3A_275, %get3A_277, %get3A_281 : vector<16xi32>, vector<16xi32>, vector<16xf32>, vector<16xi32>, vector<16xi32>, vector<16xf32>, vector<16xi32>, vector<16xi32>, vector<16xf32>, vector<16xi32>, vector<16xi32>, vector<16xf32>, vector<16xi32>, vector<16xi32>, vector<16xf32>
      }
      %scan3A_203 = arith.constant 49 : i32
      tpu.vector_store_idx %arg5[%scan3A_202#0], %scan3A_202#2 {add = true} : memref<50048xf32, #tpu.memory_space<vmem>>[vector<16xi32>], vector<16xf32>,
      tpu.vector_store_idx %arg5[%scan3A_202#1], %scan3A_202#2 {add = true} : memref<50048xf32, #tpu.memory_space<vmem>>[vector<16xi32>], vector<16xf32>,
      tpu.vector_store_idx %arg5[%scan3A_202#3], %scan3A_202#5 {add = true} : memref<50048xf32, #tpu.memory_space<vmem>>[vector<16xi32>], vector<16xf32>,
      tpu.vector_store_idx %arg5[%scan3A_202#4], %scan3A_202#5 {add = true} : memref<50048xf32, #tpu.memory_space<vmem>>[vector<16xi32>], vector<16xf32>,
      tpu.vector_store_idx %arg5[%scan3A_202#6], %scan3A_202#8 {add = true} : memref<50048xf32, #tpu.memory_space<vmem>>[vector<16xi32>], vector<16xf32>,
      tpu.vector_store_idx %arg5[%scan3A_202#7], %scan3A_202#8 {add = true} : memref<50048xf32, #tpu.memory_space<vmem>>[vector<16xi32>], vector<16xf32>,
      tpu.vector_store_idx %arg5[%scan3A_202#9], %scan3A_202#11 {add = true} : memref<50048xf32, #tpu.memory_space<vmem>>[vector<16xi32>], vector<16xf32>,
      tpu.vector_store_idx %arg5[%scan3A_202#10], %scan3A_202#11 {add = true} : memref<50048xf32, #tpu.memory_space<vmem>>[vector<16xi32>], vector<16xf32>,
      tpu.vector_store_idx %arg5[%scan3A_202#12], %scan3A_202#14 {add = true} : memref<50048xf32, #tpu.memory_space<vmem>>[vector<16xi32>], vector<16xf32>,
      tpu.vector_store_idx %arg5[%scan3A_202#13], %scan3A_202#14 {add = true} : memref<50048xf32, #tpu.memory_space<vmem>>[vector<16xi32>], vector<16xf32>,
    }
    %scan3A_36 = arith.constant 25 : i32
    %mul3A_37 = arith.constant 50048 : i32
    %mul3A_38 = arith.muli %add3A, %mul3A_37 : i32
    "tpu.region"() ({
      %run_scoped3A = tpu.sem_alloc : memref<!tpu.dma_semaphore, #tpu.memory_space<semaphore_mem>>
      %dma_start3A_39 = tpu.memref_slice %arg4[%mul3A_38] : memref<1601536xf32, #tpu.memory_space<hbm>> -> memref<50048xf32, #tpu.memory_space<hbm>>
      %dma_start3A_40 = tpu.memref_slice %arg4[%mul3A_38] : memref<1601536xf32, #tpu.memory_space<hbm>> -> memref<50048xf32, #tpu.memory_space<hbm>>
      tpu.enqueue_dma source(%arg5 : memref<50048xf32, #tpu.memory_space<vmem>>) target(%dma_start3A_40 : memref<50048xf32, #tpu.memory_space<hbm>>) target_semaphore(%run_scoped3A : memref<!tpu.dma_semaphore, #tpu.memory_space<semaphore_mem>>)
      %dma_wait3A = tpu.memref_slice %arg4[%mul3A_38] : memref<1601536xf32, #tpu.memory_space<hbm>> -> memref<50048xf32, #tpu.memory_space<hbm>>
      %dma_wait3A_41 = tpu.memref_slice %arg4[%mul3A_38] : memref<1601536xf32, #tpu.memory_space<hbm>> -> memref<50048xf32, #tpu.memory_space<hbm>>
      tpu.wait_dma2 semaphore(%run_scoped3A : memref<!tpu.dma_semaphore, #tpu.memory_space<semaphore_mem>>) src(%arg5 : memref<50048xf32, #tpu.memory_space<vmem>>) dst(%dma_wait3A_41 : memref<50048xf32, #tpu.memory_space<hbm>>)
      tpu.yield
    }) : () -> ()
    return
  }
}

module attributes {stable_mosaic.version = 14 : i64} {
  func.func @body(%arg0: memref<4x8x50048xf32, #tpu.memory_space<vmem>>, %arg1: memref<4x50000xf32, #tpu.memory_space<vmem>>) attributes {dimension_semantics = [], scalar_prefetch = 0 : i64, scratch_operands = 0 : i64, tpu.core_type = #tpu.core_type<tc>} {
    %get3A = arith.constant 0 : index
    %get3A_0 = arith.constant 0 : index
    %get3A_1 = arith.constant 0 : index
    %get3A_2 = vector.load %arg0[%get3A, %get3A_0, %get3A_1] : memref<4x8x50048xf32, #tpu.memory_space<vmem>>, vector<4x1x50048xf32>
    %get3A_3 = vector.shape_cast %get3A_2 : vector<4x1x50048xf32> to vector<4x50048xf32>
    %get3A_4 = arith.constant 0 : index
    %get3A_5 = arith.constant 1 : index
    %get3A_6 = arith.constant 0 : index
    %get3A_7 = vector.load %arg0[%get3A_4, %get3A_5, %get3A_6] : memref<4x8x50048xf32, #tpu.memory_space<vmem>>, vector<4x1x50048xf32>
    %get3A_8 = vector.shape_cast %get3A_7 : vector<4x1x50048xf32> to vector<4x50048xf32>
    %add3A = arith.addf %get3A_3, %get3A_8 : vector<4x50048xf32>
    %get3A_9 = arith.constant 0 : index
    %get3A_10 = arith.constant 2 : index
    %get3A_11 = arith.constant 0 : index
    %get3A_12 = vector.load %arg0[%get3A_9, %get3A_10, %get3A_11] : memref<4x8x50048xf32, #tpu.memory_space<vmem>>, vector<4x1x50048xf32>
    %get3A_13 = vector.shape_cast %get3A_12 : vector<4x1x50048xf32> to vector<4x50048xf32>
    %add3A_14 = arith.addf %add3A, %get3A_13 : vector<4x50048xf32>
    %get3A_15 = arith.constant 0 : index
    %get3A_16 = arith.constant 3 : index
    %get3A_17 = arith.constant 0 : index
    %get3A_18 = vector.load %arg0[%get3A_15, %get3A_16, %get3A_17] : memref<4x8x50048xf32, #tpu.memory_space<vmem>>, vector<4x1x50048xf32>
    %get3A_19 = vector.shape_cast %get3A_18 : vector<4x1x50048xf32> to vector<4x50048xf32>
    %add3A_20 = arith.addf %add3A_14, %get3A_19 : vector<4x50048xf32>
    %get3A_21 = arith.constant 0 : index
    %get3A_22 = arith.constant 4 : index
    %get3A_23 = arith.constant 0 : index
    %get3A_24 = vector.load %arg0[%get3A_21, %get3A_22, %get3A_23] : memref<4x8x50048xf32, #tpu.memory_space<vmem>>, vector<4x1x50048xf32>
    %get3A_25 = vector.shape_cast %get3A_24 : vector<4x1x50048xf32> to vector<4x50048xf32>
    %add3A_26 = arith.addf %add3A_20, %get3A_25 : vector<4x50048xf32>
    %get3A_27 = arith.constant 0 : index
    %get3A_28 = arith.constant 5 : index
    %get3A_29 = arith.constant 0 : index
    %get3A_30 = vector.load %arg0[%get3A_27, %get3A_28, %get3A_29] : memref<4x8x50048xf32, #tpu.memory_space<vmem>>, vector<4x1x50048xf32>
    %get3A_31 = vector.shape_cast %get3A_30 : vector<4x1x50048xf32> to vector<4x50048xf32>
    %add3A_32 = arith.addf %add3A_26, %get3A_31 : vector<4x50048xf32>
    %get3A_33 = arith.constant 0 : index
    %get3A_34 = arith.constant 6 : index
    %get3A_35 = arith.constant 0 : index
    %get3A_36 = vector.load %arg0[%get3A_33, %get3A_34, %get3A_35] : memref<4x8x50048xf32, #tpu.memory_space<vmem>>, vector<4x1x50048xf32>
    %get3A_37 = vector.shape_cast %get3A_36 : vector<4x1x50048xf32> to vector<4x50048xf32>
    %add3A_38 = arith.addf %add3A_32, %get3A_37 : vector<4x50048xf32>
    %get3A_39 = arith.constant 0 : index
    %get3A_40 = arith.constant 7 : index
    %get3A_41 = arith.constant 0 : index
    %get3A_42 = vector.load %arg0[%get3A_39, %get3A_40, %get3A_41] : memref<4x8x50048xf32, #tpu.memory_space<vmem>>, vector<4x1x50048xf32>
    %get3A_43 = vector.shape_cast %get3A_42 : vector<4x1x50048xf32> to vector<4x50048xf32>
    %add3A_44 = arith.addf %add3A_38, %get3A_43 : vector<4x50048xf32>
    %reduce_max3A = arith.constant dense<0xFF800000> : vector<4xf32>
    %reduce_max3A_45 = vector.multi_reduction <maximumf>, %add3A_44, %reduce_max3A [1] : vector<4x50048xf32> to vector<4xf32>
    %broadcast_in_dim3A = vector.shape_cast %reduce_max3A_45 : vector<4xf32> to vector<4x1xf32>
    %bitcast_convert_type3A = tpu.bitcast %add3A_44 : vector<4x50048xf32> -> vector<4x50048xi32>
    %iota3A = tpu.iota {dimensions = array<i32: 1>} : vector<4x50048xi32>
    %lt3A = arith.constant 50000 : i32
    %lt3A_46 = vector.broadcast %lt3A : i32 to vector<4x50048xi32>
    %lt3A_47 = arith.cmpi slt, %iota3A, %lt3A_46 : vector<4x50048xi32>
    %broadcast_in_dim3A_48 = arith.constant 0 : i32
    %broadcast_in_dim3A_49 = vector.broadcast %broadcast_in_dim3A_48 : i32 to vector<4x1xi32>
    %scan3A = arith.constant 0 : i32
    %scan3A_50 = arith.constant 32 : i32
    %scan3A_51 = arith.addi %scan3A, %scan3A_50 : i32
    %scan3A_52 = arith.constant 1 : i32
    %scan3A_53 = scf.for %scan3A_67 = %scan3A to %scan3A_51 step %scan3A_52 iter_args(%scan3A_68 = %broadcast_in_dim3A_49) -> (vector<4x1xi32>)  : i32 {
      %sub3A = arith.constant 31 : i32
      %sub3A_69 = arith.subi %sub3A, %scan3A_67 : i32
      %shift_left3A = arith.constant 1 : i32
      %shift_left3A_70 = arith.shli %shift_left3A, %sub3A_69 : i32
      %or3A = vector.broadcast %shift_left3A_70 : i32 to vector<4x1xi32>
      %or3A_71 = arith.ori %scan3A_68, %or3A : vector<4x1xi32>
      %lt3A_72 = vector.broadcast %or3A_71 : vector<4x1xi32> to vector<4x50048xi32>
      %lt3A_73 = arith.cmpi ult, %bitcast_convert_type3A, %lt3A_72 : vector<4x50048xi32>
      %and3A = arith.andi %lt3A_73, %lt3A_47 : vector<4x50048xi1>
      %convert_element_type3A = arith.extui %and3A : vector<4x50048xi1> to vector<4x50048xi32>
      %reduce_sum3A = arith.constant dense<0> : vector<4xi32>
      %reduce_sum3A_74 = vector.multi_reduction <add>, %convert_element_type3A, %reduce_sum3A [1] : vector<4x50048xi32> to vector<4xi32>
      %broadcast_in_dim3A_75 = vector.shape_cast %reduce_sum3A_74 : vector<4xi32> to vector<4x1xi32>
      %le3A = arith.constant 24999 : i32
      %le3A_76 = vector.broadcast %le3A : i32 to vector<4x1xi32>
      %le3A_77 = arith.cmpi sle, %broadcast_in_dim3A_75, %le3A_76 : vector<4x1xi32>
      %select_n3A_78 = arith.select %le3A_77, %or3A_71, %scan3A_68 : vector<4x1xi1>, vector<4x1xi32>
      scf.yield %select_n3A_78 : vector<4x1xi32>
    }
    %scan3A_54 = arith.constant 32 : i32
    %bitcast_convert_type3A_55 = tpu.bitcast %scan3A_53 : vector<4x1xi32> -> vector<4x1xf32>
    %add3A_56 = arith.constant 9.99999993E-9 : f32
    %add3A_57 = vector.broadcast %add3A_56 : f32 to vector<4x1xf32>
    %add3A_58 = arith.addf %broadcast_in_dim3A, %add3A_57 : vector<4x1xf32>
    %div3A = vector.broadcast %add3A_58 : vector<4x1xf32> to vector<4x50048xf32>
    %div3A_59 = arith.divf %add3A_44, %div3A : vector<4x50048xf32>
    %div3A_60 = arith.divf %bitcast_convert_type3A_55, %add3A_58 : vector<4x1xf32>
    %ge3A = vector.broadcast %div3A_60 : vector<4x1xf32> to vector<4x50048xf32>
    %ge3A_61 = arith.cmpf oge, %div3A_59, %ge3A : vector<4x50048xf32>
    %jit3A = arith.constant 1.000000e+00 : f32
    %jit3A_62 = arith.constant 0.699999988 : f32
    %broadcast_in_dim3A_63 = vector.broadcast %jit3A : f32 to vector<4x50048xf32>
    %broadcast_in_dim3A_64 = vector.broadcast %jit3A_62 : f32 to vector<4x50048xf32>
    %select_n3A = arith.select %ge3A_61, %broadcast_in_dim3A_63, %broadcast_in_dim3A_64 : vector<4x50048xi1>, vector<4x50048xf32>
    %slice3A = vector.extract_strided_slice %select_n3A {offsets = [0, 0], sizes = [4, 50000], strides = [1, 1]} : vector<4x50048xf32> to vector<4x50000xf32>
    %swap3A = arith.constant 0 : index
    %swap3A_65 = arith.constant 0 : index
    %swap3A_66 = vector.load %arg1[%swap3A, %swap3A_65] : memref<4x50000xf32, #tpu.memory_space<vmem>>, vector<4x50000xf32>
    tpu.vector_store %arg1[%swap3A, %swap3A_65], %slice3A {strides = array<i32>} : memref<4x50000xf32, #tpu.memory_space<vmem>>, vector<4x50000xf32>,
    return
  }
}

</mosaic_0001>

<sc_bundles>
// kernel: kernel.4.cloned.1.call-start
scs
__scs_entry_jumppad:
0x0: {  	(pc) =	sbr.rel $0x88, $3  }
0x1: {  	(tag) =	ssettag $0x0;
	lr =	simm.s32 $0x1  }
0x2: {  	[smem:$0x3F9F] =	sst lr;
	_ =	strace $0xD0000000  }
0x3: {  	_ = 	snop  }
0x4: {  	_ = 	snop  }
0x5: {  	_ = 	snop  }
0x6: {  	_ = 	snop  }
0x7: {  	_ = 	snop  }
__scs_overlays_trampoline_lowered:
0x8: {  	[smem:$0x3FAE] =	sst s0  }
0x9: {  	[smem:$0x3FAF] =	sst s1  }
0xa: {  	[smem:$0x3FB0] =	sst s2  }
0xb: {  	[smem:$0x3FB1] =	sst s3  }
0xc: {  	[smem:$0x3FB2] =	sst s4  }
0xd: {  	[smem:$0x3FB3] =	sst s5  }
0xe: {  	[smem:$0x3FB4] =	sst s6  }
0xf: {  	[smem:$0x3FB5] =	sst s7  }
0x10: {  	[smem:$0x3FB6] =	sst s8  }
0x11: {  	[smem:$0x3FB7] =	sst s9;
	s0 =	simm.s32 @!p0 $0x0  }
0x12: {  	s1 =	sld [smem:$0x3F9D];
	s0 =	simm.s32 @p0 $0x1  }
0x13: {  	[smem:$0x3FB8] =	sst s0;
	s0 =	simm.s32 @!p1 $0x0  }
0x14: {  	s2 =	sld [smem:$0x3F9C];
	s0 =	simm.s32 @p1 $0x1  }
0x15: {  	[smem:$0x3FB9] =	sst s0;
	s0 =	simm.s32 @!p2 $0x0  }
0x16: {  	s3 =	sld [smem:$0x3FDB];
	s0 =	simm.s32 @p2 $0x1  }
0x17: {  	s4 =	simm.s32 $0x1BF5;
	[smem:$0x3FBB] =	sst s0  }
0x18: {  	s0 =	sld [smem:$0x3F9E];
	_ =	swait.ge [sflag:s4], $0x0  }
0x19: {  	s7 =	sld [smem:$0x3F9F]  }
0x1a: {  	s8 =	sadd.s32 $0xFFFFE003, lr  }
0x1b: {  	s9 =	sadd.s32 $0xFFFFFEF7, lr;
	s5 =	simm.s32 $0xFFFFFFFF;
	p2 =	slt.u32 s8, $0xFFFFF086  }
0x1c: {  	p1 =	slt.u32 s9, $0xF7A;
	s5 =	simm.s32 @!p2 $0x0  }
0x1d: {  	s5 =	simm.s32 @p1 $0x1;
	p0 =	seq.s32 s7, s2  }
0x1e: {  	s7 =	smul.u32 @!p0 $0xF7A, s2;
	p2 =	seq.s32 @!p0 s5, $0x0  }
0x1f: {  	s9 =	smul.u32 $0xF7A, s1;
	s8 =	simm.s32 @!p0 $0x1BF5;
	p2 =	por !p2, p0  }
0x20: {  	[sflag:s8] =	ssyncset.s32 @!p0 $0xFFFFF086;
	s6 =	sadd.s32 @!p0 s3, s7;
	s7 =	simm.s32 @!p0 $0x108  }
0x21: {  	s3 =	sadd.s32 s3, s9;
	s6 =	sadd.s32 @!p0 $0x88, s6;
	s7 =	simm.s32 @p2 $0x1082  }
0x22: {  	[simem:s7], [sflag:s8] =	dma.local @!p0 [hbm:s6], $0xF7A  }
0x23: {  	s9 =	sor.u32 $0xD0000000, s2;
	s6 =	simm.s32 $0x108;
	_ =	swait.ge @!p0 [sflag:s8], $0x0  }
0x24: {  	s3 =	sadd.s32 $0x88, s3;
	s6 =	simm.s32 @!p1 $0x1082;
	[sflag:s4] =	ssyncset.s32 $0xFFFFF086  }
0x25: {  	[simem:s6], [sflag:s4] =	dma.local [hbm:s3], $0xF7A  }
0x26: {  	[smem:$0x3F9F] =	sst s1;
	(tag) =	ssettag s2;
	_ =	strace s9  }
0x27: {  	s1 =	sld [smem:$0x3FAF]  }
0x28: {  	s2 =	sld [smem:$0x3FB0]  }
0x29: {  	s4 =	sld [smem:$0x3FB2]  }
0x2a: {  	p0 =	seq.s32 s5, $0x0;
	s5 =	sld [smem:$0x3FB3]  }
0x2b: {  	s6 =	sld [smem:$0x3FB4]  }
0x2c: {  	s7 =	sld [smem:$0x3FB5]  }
0x2d: {  	s3 =	simm.s32 $0x108;
	s8 =	sld [smem:$0x3FB6]  }
0x2e: {  	s3 =	simm.s32 @!p0 $0x1082;
	s9 =	sld [smem:$0x3FB7]  }
0x2f: {  	lr =	sadd.s32 s0, s3;
	s0 =	sld [smem:$0x3FAE]  }
0x30: {  	s3 =	sld [smem:$0x3FB1]  }
0x31: {  	[smem:$0x3FBA] =	sst s10  }
0x32: {  	s10 =	sld [smem:$0x3FB8];
	_ =	sdelay $0x3  }
0x33: {  	p0 =	seq.s32 s10, $0x1;
	s10 =	sld [smem:$0x3FBA];
	_ =	sdelay $0x3  }
0x34: {  	[smem:$0x3FBA] =	sst s10  }
0x35: {  	s10 =	sld [smem:$0x3FB9];
	_ =	sdelay $0x3  }
0x36: {  	p1 =	seq.s32 s10, $0x1;
	s10 =	sld [smem:$0x3FBA];
	_ =	sdelay $0x3  }
0x37: {  	[smem:$0x3FBA] =	sst s10  }
0x38: {  	s10 =	sld [smem:$0x3FBB]  }
0x39: {  	_ = 	snop;
	(pc) =	sbr.ind lr, $3  }
0x3a: {  	_ = 	snop  }
0x3b: {  	_ = 	snop  }
0x3c: {  	p2 =	seq.s32 s10, $0x1;
	s10 =	sld [smem:$0x3FBA]  }
0x3d: {  	_ =	shalt  }
0x3e: {  	_ =	shalt  }
0x3f: {  	_ =	shalt  }
0x40: {  	_ =	shalt  }
0x41: {  	_ =	shalt  }
0x42: {  	_ =	shalt  }
0x43: {  	_ =	shalt  }
0x44: {  	_ =	shalt  }
0x45: {  	_ =	shalt  }
0x46: {  	_ =	shalt  }
0x47: {  	_ =	shalt  }
0x48: {  	_ =	shalt  }
0x49: {  	_ =	shalt  }
0x4a: {  	_ =	shalt  }
0x4b: {  	_ =	shalt  }
0x4c: {  	_ =	shalt  }
0x4d: {  	_ =	shalt  }
0x4e: {  	_ =	shalt  }
0x4f: {  	_ =	shalt  }
0x50: {  	_ =	shalt  }
0x51: {  	_ =	shalt  }
0x52: {  	_ =	shalt  }
0x53: {  	_ =	shalt  }
0x54: {  	_ =	shalt  }
0x55: {  	_ =	shalt  }
0x56: {  	_ =	shalt  }
0x57: {  	_ =	shalt  }
0x58: {  	_ =	shalt  }
0x59: {  	_ =	shalt  }
0x5a: {  	_ =	shalt  }
0x5b: {  	_ =	shalt  }
0x5c: {  	_ =	shalt  }
0x5d: {  	_ =	shalt  }
0x5e: {  	_ =	shalt  }
0x5f: {  	_ =	shalt  }
0x60: {  	_ =	shalt  }
0x61: {  	_ =	shalt  }
0x62: {  	_ =	shalt  }
0x63: {  	_ =	shalt  }
0x64: {  	_ =	shalt  }
0x65: {  	_ =	shalt  }
0x66: {  	_ =	shalt  }
0x67: {  	_ =	shalt  }
0x68: {  	_ =	shalt  }
0x69: {  	_ =	shalt  }
0x6a: {  	_ =	shalt  }
0x6b: {  	_ =	shalt  }
0x6c: {  	_ =	shalt  }
0x6d: {  	_ =	shalt  }
0x6e: {  	_ =	shalt  }
0x6f: {  	_ =	shalt  }
0x70: {  	_ =	shalt  }
0x71: {  	_ =	shalt  }
0x72: {  	_ =	shalt  }
0x73: {  	_ =	shalt  }
0x74: {  	_ =	shalt  }
0x75: {  	_ =	shalt  }
0x76: {  	_ =	shalt  }
0x77: {  	_ =	shalt  }
0x78: {  	_ =	shalt  }
0x79: {  	_ =	shalt  }
0x7a: {  	_ =	shalt  }
0x7b: {  	_ =	shalt  }
0x7c: {  	_ =	shalt  }
0x7d: {  	_ =	shalt  }
0x7e: {  	_ =	shalt  }
0x7f: {  	_ =	shalt  }
0x80: {  	_ =	shalt  }
0x81: {  	_ =	shalt  }
0x82: {  	_ =	shalt  }
0x83: {  	_ =	shalt  }
0x84: {  	_ =	shalt  }
0x85: {  	_ =	shalt  }
0x86: {  	_ =	shalt  }
0x87: {  	_ =	shalt  }
.Lfunc_end0:
.L_simem_size_0:
called_computation_lowered:
.L_overlay_start_0:
0x88: {  	s2 =	sld [smem:$0x3FD9]  }
0x89: {  	s3 =	sld [smem:$0x3FFE];
	_ =	sdelay $0x1  }
0x8a: {  	s1 =	srdreg.scid  }
0x8b: {  	s0 =	sand.u32 $0x1, s1  }
0x8c: {  	s17 =	sshll.u32 s0, $0xA;
	s2 =	sadd.s32 s3, s2  }
0x8d: {  	s2 =	sadd.s32 s2, s17  }
0x8e: {  	[smem:$0x3FC6] =	sst s2  }
0x8f: {  	_ = 	snop  }
0x90: {  	s2 =	sld [smem:$0x3FC8];
	(tm) =	ssettm $0x1  }
0x91: {  	s18 =	sld [smem:$0x3FFB];
	_ =	sdelay $0x3  }
0x92: {  	_ =	strace s18  }
0x93: {  	s3 =	sld [smem:$0x3FFC];
	_ =	sdelay $0x3  }
0x94: {  	_ =	strace s3  }
0x95: {  	s3 =	sld [smem:$0x3FFD];
	_ =	sdelay $0x3  }
0x96: {  	_ =	strace s3  }
0x97: {  	_ =	strace $0x8FFFFFFF  }
0x98: {  	s19 =	sld [smem:$0x3FDB];
	_ =	sdelay $0x1  }
0x99: {  	s4 =	simm.s32 $_scs_section_size  }
0x9a: {  	s5 =	simm.s32 $_size__tile_overlayer_lowered;
	s6 =	simm.s32 $_tile_overlayer_lowered  }
0x9b: {  	s22 =	simm.s32 $0x1BFF;
	s21 =	sshll.u32 s6, $0x1;
	s3 =	sadd.s32 s4, s19  }
0x9c: {  	s7 =	simm.s32 $0x0;
	s20 =	sshll.u32 s5, $0x1;
	s5 =	sadd.s32 s21, s3  }
0x9d: {  	[timem:s7], [sflag:s22] =	dma.local [hbm:s5], s20  }
0x9e: {  	_ =	swait.ge [sflag:s22], s20  }
0x9f: {  	s4 =	ssub.s32 $0x0, s20;
	[sflag:s22] =	ssyncset.done $0x0  }
0xa0: {  	[sflag:s22] =	ssyncadd.s32 s4;
	_ =	sdelay $0x1  }
0xa1: {  	s23 =	simm.s32 $0x1B8B  }
0xa2: {  	_ =	swait.ge [sflag:s23], $0x1  }
0xa3: {  	[sflag:s23] =	ssyncset.done $0x0  }
0xa4: {  	s25 =	simm.s32 $0x1B8E;
	s24 =	sld [smem:$0x3FFE];
	[sflag:s23] =	ssyncadd.s32 $0xFFFFFFFF  }
0xa5: {  	s26 =	simm.s32 $execute0_lowered;
	[smem:$0x3FD2] =	sst s25  }
0xa6: {  	s5 =	sshll.u32 s26, $0x1;
	_ =	strace $0x80000046;
	[dreg:$0x1] =	wrdreg $0xFFFFFFFF  }
0xa7: {  	s28 =	simm.s32 $_size_execute0_lowered;
	s3 =	sadd.s32 s3, s5;
	[dreg:$0x0] =	wrdreg $0x0  }
0xa8: {  	s5 =	sshll.u32 s28, $0x1;
	[dreg:$0x2] =	wrdreg s3  }
0xa9: {  	[dreg:$0x3] =	wrdreg s5  }
0xaa: {  	[dreg:$0x4] =	wrdreg $0xC0  }
0xab: {  	_ =	task [dreg:s7], $0x5FFFF  }
0xac: {  	[dreg:$0x1] =	wrdreg $0xFFFFFFFF  }
0xad: {  	[dreg:$0x0] =	wrdreg $0x60  }
0xae: {  	[dreg:$0x2] =	wrdreg s24  }
0xaf: {  	[dreg:$0x3] =	wrdreg s2  }
0xb0: {  	[dreg:$0x4] =	wrdreg $0x9  }
0xb1: {  	_ =	task.clear_ibuf [dreg:s7], $0x5FFFF;
	_ =	strace $0x90000046  }
0xb2: {  	s29 =	simm.s32 $0x9;
	_ =	strace $0x80000048  }
0xb3: {  	_ =	swait.ge [sflag:s29], $0x1  }
0xb4: {  	[sflag:s29] =	ssyncadd.s32 $0xFFFFFFFF  }
0xb5: {  	_ =	strace $0x90000048  }
0xb6: {  	_ =	sfence  }
0xb7: {  	s30 =	sld [smem:$0x0];
	_ =	sdelay $0x2  }
0xb8: {  	s31 =	sshll.u32 s1, $0xD;
	s1 =	sshrl.u32 s1, $0x2  }
0xb9: {  	s3 =	sand.u32 $0x4000, s31;
	s1 =	sadd.s32 s1, s30  }
0xba: {  	s0 =	sor.u32 s3, s0;
	s1 =	sshll.u32 s1, $0x11  }
0xbb: {  	s0 =	sor.u32 s1, s0  }
0xbc: {  	s0 =	sadd.s32 $0x8F2B, s0  }
0xbd: {  	[sflag:s0] =	ssyncadd.remote.s32 $0x1  }
0xbe: {  	_ =	sfence.sel $0xFFFF  }
0xbf: {  	[dreg:$0x0] =	wrdreg $0xFFFFFFFF;
	(pc) =	sbr.abs _section_cstart, $3  }
0xc0: {  	[dreg:$0x1] =	wrdreg $0xFFFFFFFF  }
0xc1: {  	_ =	task.clear_ibuf [dreg:s7], $0x2FFFF;
	_ =	strace $0x9FFFFFFF  }
0xc2: {  	(tm) =	ssettm $0x7FFFFFFF  }
0xc3: {  	_ =	shalt  }
tec
execute0_lowered:
.L_overlay_start_1:
0x0: {  	(tag) =	ssettag $0x1  }
0x1: {  	s0 =	srdreg.scid;
	s1 =	rddreg [dreg:$0x0]  }
0x2: {  	s4 =	stileid.u32;
	s22 =	rddreg [dreg:$0x1]  }
0x3: {  	s20 =	simm.s32 $0x1;
	s28 =	simm.s32 $0x4;
	s29 =	simm.s32 $0x6  }
0x4: {  	s2 =	sand.u32 $0x1, s0;
	s3 =	sshll.u32 s4, $0x1;
	s9 =	sshrl.u32 s4, $0x2  }
0x5: {  	s5 =	sadd.s32 $0x400, s1;
	s0 =	sshllo.u32 s0, $0x1;
	s3 =	sor.u32 s2, s3  }
0x6: {  	s7 =	smul.u32 $0x30D400, s9;
	s10 =	ssub.s32 $0x2, s2;
	p0 =	seq.s32 s2, $0x1  }
0x7: {  	s6 =	smul.u32 $0x1870, s3;
	s8 =	sand.u32 $0x7, s3;
	s3 =	simm.s32 $0x0  }
0x8: {  	s11 =	sshrl.u32 s10, $0x1;
	s4 =	smul.u32 $0x30D40, s8;
	[smem:$0x7FF] =	sst s3  }
0x9: {  	s8 =	smul.u32 $0x186A0, s8;
	s11 =	ssub.s32 s10, s11;
	_ =	strace $0x80000047  }
0xa: {  	s1 =	sadd.s32 s6, s1;
	s31 =	smax.u32 s11, $0x1;
	[dreg:$0xa] =	wrdreg s0  }
0xb: {  	s6 =	sadd.s32 s7, s4;
	s8 =	sand.u32 $0xFFFC0, s8;
	s1 =	sadd.s32 $0x186E00, s1  }
0xc: {  	[dreg:$0x9] =	wrdreg s31;
	s7 =	sadd.s32 $0x186A00, s6;
	s12 =	sshrl.u32 s6, $0x3  }
0xd: {  	s8 =	sadd.s32 s22, s8;
	[dreg:$0x8] =	wrdreg s1;
	s25 =	sshrl.u32 s7, $0x3  }
.Ltmp0:
0xe: {  	[dreg:$0x5] =	wrdreg s8;
	s10 =	sadd.s32 s5, s25;
	(pc) =	sbr.rel .LBB2_1-.Ltmp0, $4  }
0xf: {  	s24 =	sadd.s32 s5, s12;
	[dreg:$0x4] =	wrdreg s10;
	s10 =	sshll.u32 s9, $0x7  }
0x10: {  	s2 =	simm.s32 $0x0;
	[dreg:$0x3] =	wrdreg s24;
	s26 =	sadd.s32 $0x10380, s10  }
0x11: {  	s24 =	simm.s32 $0x3;
	s30 =	sadd.s32 $0x14580, s10;
	[dreg:$0x6] =	wrdreg s26  }
0x12: {  	v0 =	vimm.f32 $0.0e+00;
	s25 =	simm.s32 $0x5;
	v1 =	vmov s10;
	[dreg:$0x7] =	wrdreg s30;
	s26 =	simm.s32 $0x2  }
.LBB2_11:
0x13: {  	s0 =	rddreg [dreg:$0x8];
	s1 =	simm.s32 $0x7  }
0x14: {  	[hbm4b:s0+s3] =	stream.linear.scatter [tilespmem:s3], [sflag:$0x7], $0xC380, $0x38;
	[tilespmem:$0x18780] =	vst v63  }
0x15: {  	_ =	swait.ge [sflag:s1], $0xC380  }
0x16: {  	s2 =	rddreg [dreg:$0xb]  }
0x17: {  	s31 =	rddreg [dreg:$0x9];
	s2 =	sadd.s32 $0x1, s2  }
0x18: {  	p1 =	sne.s32 s2, s31  }
.Ltmp1:
0x19: {  	_ = 	snop;
	(pc) =	sbr.rel @!p1 .LBB2_12-.Ltmp1, $3  }
0x1a: {  	_ =	sdelay $0x1  }
0x1b: {  	[sflag:s1] =	ssyncset.done $0x0  }
0x1c: {  	[sflag:s1] =	ssyncadd.s32 $0xFFFF3C80  }
.LBB2_1:
0x1d: {  	[dreg:$0xb] =	wrdreg s2;
	s0 =	simm.s32 $0x40;
	s1 =	simm.s32 $0x0  }
.LBB2_2:
0x1e: {  	p1 =	sne.s32 s0, $0x30DC0;
	[tilespmem:s1+$0x0] =	vst v0;
	s1 =	smov.u32 s0;
	s0 =	sadd.s32 $0x40, s0  }
.Ltmp2:
0x1f: {  	(pc) =	sbr.rel @p1 .LBB2_2-.Ltmp2, $2  }
0x20: {  	_ =	sdelay $0x2  }
0x21: {  	s1 =	sshra.s32 s1, $0x2  }
0x22: {  	[tilespmem:s1+$0x0] =	vst v0;
	s1 =	simm.s32 $0x0;
	s0 =	rddreg [dreg:$0x3];
	s2 =	simm.s32 $0xC380  }
0x23: {  	[tilespmem:s2], [sflag:$0x1] =	stream.linear.gather [hbm4b:s0+s1], $0xFA0, $0x38;
	[tilespmem:$0x18780] =	vst v63  }
.Ltmp3:
0x24: {  	s21 =	rddreg [dreg:$0x4];
	(pc) =	sbr.rel .LBB2_4-.Ltmp3, $4  }
0x25: {  	s23 =	simm.s32 $0xE380;
	s30 =	rddreg [dreg:$0x5];
	s31 =	simm.s32 $0x10380  }
0x26: {  	[tilespmem:s23], [sflag:$0x3] =	stream.linear.gather [hbm4b:s21+s1], $0xFA0, $0x38;
	[tilespmem:$0x18780] =	vst v63  }
0x27: {  	s16 =	rddreg [dreg:$0xa];
	p1 =	por p0, p0;
	s17 =	simm.s32 $0x0  }
0x28: {  	[tilespmem:s31], [sflag:$0x5] =	stream.linear.gather [hbm4b:s30+s1], $0x4200, $0x38;
	[tilespmem:$0x18780] =	vst v63  }
.LBB2_10:
0x29: {  	s17 =	sadd.s32 $0x1, s17  }
0x2a: {  	p2 =	sne.s32 s17, $0x19  }
.Ltmp4:
0x2b: {  	_ = 	snop;
	(pc) =	sbr.rel @!p2 .LBB2_11-.Ltmp4, $2  }
0x2c: {  	_ =	sdelay $0x2  }
0x2d: {  	p1 =	por !p1, !p1;
	s16 =	sadd.s32 $0x2, s16  }
.LBB2_4:
0x2e: {  	s9 =	smul.u32 $0x1F40, s17;
	_ =	sdelay $0x1  }
0x2f: {  	s0 =	sadd.s32 $0xFA0, s9  }
0x30: {  	s2 =	sadd.s32 s6, s0  }
0x31: {  	s2 =	sshrl.u32 s2, $0x3  }
0x32: {  	s8 =	simm.s32 $0xD380;
	s13 =	sadd.s32 s7, s0;
	s2 =	sadd.s32 s5, s2  }
0x33: {  	[tilespmem:s8], [sflag:$0x2] =	stream.linear.gather [hbm4b:s2+s1], $0xFA0, $0x38;
	[tilespmem:$0x18780] =	vst v63  }
0x34: {  	s2 =	sshrl.u32 s13, $0x3;
	s8 =	sadd.s32 s4, s0  }
0x35: {  	s15 =	simm.s32 $0xF380;
	s14 =	sadd.s32 s5, s2;
	s18 =	sshrl.u32 s8, $0x1  }
0x36: {  	[tilespmem:s15], [sflag:$0x4] =	stream.linear.gather [hbm4b:s14+s1], $0xFA0, $0x38;
	[tilespmem:$0x18780] =	vst v63  }
0x37: {  	s0 =	sand.u32 $0x1FFFC0, s18  }
0x38: {  	s19 =	simm.s32 $0x14580;
	s0 =	sadd.s32 s22, s0  }
0x39: {  	[tilespmem:s19], [sflag:$0x6] =	stream.linear.gather [hbm4b:s0+s1], $0x4200, $0x38;
	[tilespmem:$0x18780] =	vst v63  }
0x3a: {  	_ =	swait.ge [sflag:s20], $0xFA0  }
0x3b: {  	s21 =	sand.u32 $0x3, s16;
	[sflag:s20] =	ssyncset.done $0x0  }
0x3c: {  	s13 =	smov.u32 s22;
	s18 =	sshll.u32 s21, $0x7;
	[sflag:s20] =	ssyncadd.s32 $0xFFFFF060  }
0x3d: {  	s15 =	simm.s32 $0x0;
	s22 =	sshll.u32 s17, $0x6;
	_ =	swait.ge [sflag:s24], $0xFA0  }
0x3e: {  	s0 =	sshll.u32 s21, $0x5;
	s2 =	sadd.s32 s4, s22;
	[sflag:s24] =	ssyncset.done $0x0  }
0x3f: {  	s19 =	sadd.s32 $0x50, s0;
	s0 =	simm.s32 $0x1;
	[sflag:s24] =	ssyncadd.s32 $0xFFFFF060  }
0x40: {  	s2 =	sand.u32 $0x40, s2;
	s0 =	simm.s32 @!p1 $0x0;
	_ =	swait.ge [sflag:s25], $0x4200  }
0x41: {  	s11 =	sshll.u32 s0, $0x8;
	s0 =	sshll.u32 s0, $0x6;
	[sflag:s25] =	ssyncset.done $0x0  }
0x42: {  	s14 =	sadd.s32 $0x50, s0;
	s23 =	rddreg [dreg:$0x6];
	[sflag:s25] =	ssyncadd.s32 $0xFFFFBE00  }
0x43: {  	s30 =	sadd.s32 s2, s23;
	s23 =	sxor.u32 $0x40, s2;
	s2 =	simm.s32 $0x200  }
0x44: {  	s31 =	sadd.s32 $0x10, s30;
	s21 =	sadd.s32 $0x20, s30;
	s22 =	sadd.s32 $0x30, s30  }
.LBB2_5:
0x45: {  	s0 =	sadd.s32 s15, s11;
	v5 =	vld [tilespmem:s22+$0x0]  }
0x46: {  	v12 =	vld [tilespmem:s30+$0x0];
	s12 =	sadd.s32 $0x100, s0  }
0x47: {  	v14 =	vld [tilespmem:s31+$0x0];
	s2 =	sand.u32 s2, s12  }
0x48: {  	v16 =	vld [tilespmem:s21+$0x0];
	s2 =	sadd.s32 s23, s2  }
0x49: {  	s23 =	sshra.s32 s15, $0x2;
	v2 =	vld.idx.msk [tilespmem:v1+s2+$0x10380 ss:$0x1], $0xffff  }
0x4a: {  	v3 =	vld [tilespmem:s23+$0xE3C0]  }
0x4b: {  	v4 =	vld [tilespmem:s23+$0xC3C0]  }
0x4c: {  	v9 =	vld [tilespmem:s23+$0xC380]  }
0x4d: {  	v10 =	vld [tilespmem:s23+$0xE380]  }
0x4e: {  	v11 =	vld [tilespmem:s23+$0xC390]  }
0x4f: {  	v8 =	vld [tilespmem:s23+$0xE390]  }
0x50: {  	v13 =	vld [tilespmem:s23+$0xC3A0]  }
0x51: {  	v7 =	vld [tilespmem:s23+$0xE3A0]  }
0x52: {  	v15 =	vld [tilespmem:s23+$0xC3B0]  }
0x53: {  	v6 =	vld [tilespmem:s23+$0xE3B0]  }
0x54: {  	[tilespmem:v9+s3+$0x0] =	vst.idx.add.f32.msk $0xffff, v12  }
0x55: {  	[tilespmem:v10+s3+$0x0] =	vst.idx.add.f32.msk $0xffff, v12  }
0x56: {  	[tilespmem:v11+s3+$0x0] =	vst.idx.add.f32.msk $0xffff, v14  }
0x57: {  	[tilespmem:v8+s3+$0x0] =	vst.idx.add.f32.msk $0xffff, v14  }
0x58: {  	p2 =	seq.s32 s15, $0x3D40;
	[tilespmem:v13+s3+$0x0] =	vst.idx.add.f32.msk $0xffff, v16  }
.Ltmp5:
0x59: {  	[tilespmem:v7+s3+$0x0] =	vst.idx.add.f32.msk $0xffff, v16;
	(pc) =	sbr.rel @p2 .LBB2_7-.Ltmp5, $4  }
0x5a: {  	[tilespmem:v15+s3+$0x0] =	vst.idx.add.f32.msk $0xffff, v5  }
0x5b: {  	[tilespmem:v6+s3+$0x0] =	vst.idx.add.f32.msk $0xffff, v5  }
0x5c: {  	[tilespmem:v4+s3+$0x0] =	vst.idx.add.f32.msk $0xffff, v2  }
0x5d: {  	[tilespmem:v3+s3+$0x0] =	vst.idx.add.f32.msk $0xffff, v2  }
0x5e: {  	s2 =	sand.u32 $0x70, s14;
	s12 =	sadd.s32 $0x140, s0;
	s21 =	sadd.s32 $0x10, s14  }
0x5f: {  	s22 =	sadd.s32 $0x180, s0;
	s15 =	sadd.s32 $0x140, s15;
	s12 =	sand.u32 $0x1FE00, s12  }
0x60: {  	s21 =	sand.u32 $0x70, s21;
	s23 =	sand.u32 $0x7FFFFE00, s22;
	s22 =	sadd.s32 $0x20, s14  }
0x61: {  	s2 =	sor.u32 s2, s12;
	s12 =	sor.u32 s21, s23;
	s23 =	sadd.s32 $0x200, s0  }
0x62: {  	s21 =	sadd.s32 $0x1C0, s0;
	s2 =	sadd.s32 s10, s2;
	s0 =	sand.u32 $0x7FFFFE00, s23  }
0x63: {  	s23 =	sadd.s32 $0x40, s14;
	s30 =	sadd.s32 $0x10380, s2;
	s2 =	sadd.s32 s10, s12  }
.Ltmp6:
0x64: {  	s12 =	sand.u32 $0x70, s22;
	s22 =	sadd.s32 $0x30, s14;
	(pc) =	sbr.rel .LBB2_5-.Ltmp6, $4  }
0x65: {  	s21 =	sand.u32 $0x7FFFFE00, s21;
	s23 =	sand.u32 $0x70, s23;
	s22 =	sand.u32 $0x70, s22  }
0x66: {  	s14 =	sadd.s32 $0x50, s14;
	s21 =	sor.u32 s12, s21;
	s0 =	sor.u32 s22, s0  }
0x67: {  	s31 =	sadd.s32 $0x10380, s2;
	s2 =	sadd.s32 s10, s21;
	s0 =	sadd.s32 s10, s0  }
0x68: {  	s21 =	sadd.s32 $0x10380, s2;
	s2 =	simm.s32 $0x7FFFFE00;
	s22 =	sadd.s32 $0x10380, s0  }
.LBB2_7:
0x69: {  	p2 =	seq.s32 s17, $0x18  }
0x6a: {  	s0 =	sadd.s32 @!p2 $0x1F40, s9  }
0x6b: {  	s2 =	sadd.s32 @!p2 s6, s0  }
0x6c: {  	s2 =	sshrl.u32 @!p2 s2, $0x3  }
0x6d: {  	s9 =	simm.s32 @!p2 $0x0;
	s11 =	simm.s32 @!p2 $0xC380;
	s2 =	sadd.s32 @!p2 s5, s2  }
0x6e: {  	[tilespmem:s11], [sflag:$0x1] =	stream.linear.gather @!p2 [hbm4b:s2+s9], $0xFA0, $0x38;
	[tilespmem:$0x18780] =	vst v63  }
0x6f: {  	s2 =	sadd.s32 @!p2 s7, s0;
	s0 =	sadd.s32 @!p2 s4, s0  }
0x70: {  	s2 =	sshrl.u32 @!p2 s2, $0x3;
	s0 =	sshrl.u32 @!p2 s0, $0x1  }
0x71: {  	s11 =	simm.s32 @!p2 $0xE380;
	s2 =	sadd.s32 @!p2 s5, s2;
	s0 =	sand.u32 @!p2 $0x1FFFC0, s0  }
0x72: {  	[tilespmem:s11], [sflag:$0x3] =	stream.linear.gather @!p2 [hbm4b:s2+s9], $0xFA0, $0x38;
	[tilespmem:$0x18780] =	vst v63  }
0x73: {  	s0 =	sadd.s32 @!p2 s13, s0;
	s2 =	simm.s32 @!p2 $0x10380  }
0x74: {  	[tilespmem:s2], [sflag:$0x5] =	stream.linear.gather @!p2 [hbm4b:s0+s9], $0x4200, $0x38;
	[tilespmem:$0x18780] =	vst v63  }
0x75: {  	s21 =	sand.u32 $0x60, s8;
	_ =	swait.ge [sflag:s26], $0xFA0  }
0x76: {  	s22 =	smov.u32 s13;
	s8 =	sadd.s32 $0x20, s21;
	[sflag:s26] =	ssyncset.done $0x0  }
0x77: {  	s23 =	sadd.s32 $0x30, s21;
	s31 =	sshll.u32 s8, $0x2;
	[sflag:s26] =	ssyncadd.s32 $0xFFFFF060  }
0x78: {  	s12 =	sshll.u32 s23, $0x2;
	s8 =	sor.u32 s8, s31;
	_ =	swait.ge [sflag:s28], $0xFA0  }
0x79: {  	s12 =	sand.u32 $0x200, s12;
	s8 =	sand.u32 $0x240, s8;
	[sflag:s28] =	ssyncset.done $0x0  }
0x7a: {  	s14 =	sor.u32 $0x14580, s8;
	s8 =	simm.s32 $0x0;
	[sflag:s28] =	ssyncadd.s32 $0xFFFFF060  }
0x7b: {  	s9 =	sand.u32 $0x50, s23;
	s2 =	sadd.s32 $0x40, s21;
	_ =	swait.ge [sflag:s29], $0x4200  }
0x7c: {  	s9 =	sor.u32 s9, s12;
	[sflag:s29] =	ssyncset.done $0x0;
	s30 =	rddreg [dreg:$0x7]  }
0x7d: {  	s15 =	sor.u32 $0x14580, s9;
	[sflag:s29] =	ssyncadd.s32 $0xFFFFBE00;
	s0 =	sadd.s32 s21, s30  }
0x7e: {  	s21 =	sand.u32 $0x60, s2;
	s2 =	simm.s32 $0x200;
	s11 =	sadd.s32 $0x10, s0  }
.LBB2_8:
0x7f: {  	_ =	sdelay $0x3  }
0x80: {  	v5 =	vld.idx.msk [tilespmem:v1+s15+$0x0 ss:$0x1], $0xffff  }
0x81: {  	v12 =	vld [tilespmem:s0+$0x0]  }
0x82: {  	v14 =	vld [tilespmem:s11+$0x0]  }
0x83: {  	s31 =	sshra.s32 s8, $0x2;
	v16 =	vld.idx.msk [tilespmem:v1+s14+$0x0 ss:$0x1], $0xffff  }
0x84: {  	v3 =	vld [tilespmem:s31+$0xF3C0]  }
0x85: {  	v4 =	vld [tilespmem:s31+$0xD3C0]  }
0x86: {  	v6 =	vld [tilespmem:s31+$0xF3B0]  }
0x87: {  	v9 =	vld [tilespmem:s31+$0xD380]  }
0x88: {  	v10 =	vld [tilespmem:s31+$0xF380]  }
0x89: {  	v11 =	vld [tilespmem:s31+$0xD390]  }
0x8a: {  	s9 =	sadd.s32 s8, s18;
	v8 =	vld [tilespmem:s31+$0xF390]  }
0x8b: {  	s12 =	sadd.s32 $0x100, s9;
	v13 =	vld [tilespmem:s31+$0xD3A0]  }
0x8c: {  	v7 =	vld [tilespmem:s31+$0xF3A0];
	s2 =	sand.u32 s2, s12  }
0x8d: {  	v15 =	vld [tilespmem:s31+$0xD3B0];
	s2 =	sadd.s32 s21, s2  }
0x8e: {  	v2 =	vld.idx.msk [tilespmem:v1+s2+$0x14580 ss:$0x1], $0xffff  }
0x8f: {  	[tilespmem:v9+s3+$0x0] =	vst.idx.add.f32.msk $0xffff, v12  }
0x90: {  	[tilespmem:v10+s3+$0x0] =	vst.idx.add.f32.msk $0xffff, v12  }
0x91: {  	[tilespmem:v11+s3+$0x0] =	vst.idx.add.f32.msk $0xffff, v14  }
0x92: {  	[tilespmem:v8+s3+$0x0] =	vst.idx.add.f32.msk $0xffff, v14  }
0x93: {  	p2 =	seq.s32 s8, $0x3D40;
	[tilespmem:v13+s3+$0x0] =	vst.idx.add.f32.msk $0xffff, v16  }
.Ltmp7:
0x94: {  	[tilespmem:v7+s3+$0x0] =	vst.idx.add.f32.msk $0xffff, v16;
	(pc) =	sbr.rel @p2 .LBB2_10-.Ltmp7, $4  }
0x95: {  	[tilespmem:v15+s3+$0x0] =	vst.idx.add.f32.msk $0xffff, v5  }
0x96: {  	[tilespmem:v6+s3+$0x0] =	vst.idx.add.f32.msk $0xffff, v5  }
0x97: {  	[tilespmem:v4+s3+$0x0] =	vst.idx.add.f32.msk $0xffff, v2  }
0x98: {  	[tilespmem:v3+s3+$0x0] =	vst.idx.add.f32.msk $0xffff, v2  }
0x99: {  	s0 =	sand.u32 $0x70, s19  }
0x9a: {  	s2 =	sadd.s32 $0x140, s9;
	s11 =	sadd.s32 $0x10, s19;
	s12 =	sadd.s32 $0x180, s9  }
0x9b: {  	s15 =	sadd.s32 $0x20, s19;
	s23 =	sadd.s32 $0x1C0, s9;
	s30 =	sadd.s32 $0x200, s9  }
0x9c: {  	s31 =	sadd.s32 $0x40, s19;
	s8 =	sadd.s32 $0x140, s8;
	s2 =	sand.u32 $0x1FE00, s2  }
0x9d: {  	s11 =	sand.u32 $0x70, s11;
	s12 =	sand.u32 $0x7FFFFE00, s12;
	s21 =	sand.u32 $0x70, s15  }
0x9e: {  	s9 =	sand.u32 $0x7FFFFE00, s30;
	s0 =	sor.u32 s0, s2;
	s14 =	sor.u32 s11, s12  }
.Ltmp8:
0x9f: {  	s12 =	sand.u32 $0x7FFFFE00, s23;
	s0 =	sadd.s32 s10, s0;
	(pc) =	sbr.rel .LBB2_8-.Ltmp8, $4  }
0xa0: {  	s2 =	sadd.s32 s10, s14;
	s14 =	sadd.s32 $0x30, s19;
	s19 =	sadd.s32 $0x50, s19  }
0xa1: {  	s0 =	sadd.s32 $0x14580, s0;
	s11 =	sadd.s32 $0x14580, s2;
	s14 =	sand.u32 $0x70, s14  }
0xa2: {  	s2 =	sor.u32 s21, s12;
	s21 =	sand.u32 $0x70, s31;
	s9 =	sor.u32 s14, s9  }
0xa3: {  	s14 =	sadd.s32 $0x14580, s2;
	s2 =	simm.s32 $0x7FFFFE00;
	s15 =	sadd.s32 $0x14580, s9  }
.LBB2_12:
0xa4: {  	_ =	sfence.sel $0x180000  }
0xa5: {  	[bflag:$0x0] =	sbarrier.arrive $0xFFFF  }
0xa6: {  	_ =	strace $0x90000047  }
0xa7: {  	s0 =	stileid.u32;
	[bflag:$0x2] =	sbarrier.arrive $0xFFFF  }
0xa8: {  	p0 =	sne.s32 s0, $0x0;
	s0 =	rddreg [dreg:$0x2]  }
0xa9: {  	s0 =	sadd.s32 @!p0 $0x100000, s0  }
0xaa: {  	[sflag:s0] =	ssyncadd.tile.s32 @!p0 $0x1;
	_ =	shalt  }
.Lfunc_end2:
_tile_overlayer_lowered:
.L_overlay_start_2:
0xab: {  	(tag) =	ssettag $0x2  }
0xac: {  	s0 =	rddreg [dreg:$0x0];
	s2 =	stileid.u32  }
0xad: {  	s1 =	rddreg [dreg:$0x1];
	p0 =	sne.s32 s2, $0x0  }
0xae: {  	s3 =	rddreg [dreg:$0x2];
	[bflag:$0x3] =	sbarrier.arrive $0xFFFF;
	s2 =	simm.s32 @!p0 $0x1C07  }
0xaf: {  	[timem:s3], [sflag:s2] =	dma.local @!p0 [hbm:s0], s1  }
0xb0: {  	s0 =	simm.s32 @!p0 $0x7  }
0xb1: {  	_ =	swait.ge @!p0 [sflag:s0], s1  }
0xb2: {  	s1 =	ssub.s32 @!p0 $0x0, s1;
	[sflag:s0] =	ssyncset.done @!p0 $0x0  }
0xb3: {  	[sflag:s0] =	ssyncadd.s32 @!p0 s1  }
0xb4: {  	[bflag:$0x3] =	sbarrier.arrive $0xFFFF  }
0xb5: {  	_ =	shalt  }

</sc_bundles>
